<compile_context>
chip_gen: v7x
topology: tpu7x:2x2x1
jax: 0.10.2.dev20260603
libtpu: 0.0.44.dev20260713+nightly
codegen_flags: <defaults>
</compile_context>

<pallas_src>
import functools

import jax
import jax.numpy as jnp
from jax import lax
from jax.experimental import pallas as pl
from jax.experimental.pallas import tpu as pltpu
from jax.experimental.pallas import tpu_sc as plsc

BATCH = 16384
LANES = 128

_info = plsc.get_sparse_core_info()
NC, NS = _info.num_cores, _info.num_subcores
NW = NC * NS
BPW = BATCH // NW
CHUNK = 128
NCHUNK = BPW // CHUNK
PCHUNK = CHUNK // 2

_sc_mesh = plsc.VectorSubcoreMesh(core_axis_name="c", subcore_axis_name="s")


def _make_sc_gather(nbatch):
    bpw = nbatch // NW
    nchunk = bpw // CHUNK

    @functools.partial(
        pl.kernel,
        out_type=jax.ShapeDtypeStruct((nbatch // 2, LANES), jnp.float32),
        mesh=_sc_mesh,
        scratch_types=[
            pltpu.VMEM((bpw,), jnp.int32),
            pltpu.VMEM((CHUNK, LANES), jnp.float32),
            pltpu.VMEM((CHUNK, LANES), jnp.float32),
            pltpu.VMEM((PCHUNK, LANES), jnp.float32),
            pltpu.VMEM((PCHUNK, LANES), jnp.float32),
            pltpu.SemaphoreType.DMA,
            pltpu.SemaphoreType.DMA,
        ],
    )
    def _sc_gather(sub_idx_hbm, sub_tab_hbm, x_out,
                   sub_idx_v, sub_rows0, sub_rows1, pack0, pack1,
                   sem_g, sem_w):
        wid = lax.axis_index("s") * NC + lax.axis_index("c")
        base = wid * bpw
        pbase = wid * (bpw // 2)

        pltpu.sync_copy(sub_idx_hbm.at[pl.ds(base, bpw)], sub_idx_v)

        sub_bufs = [sub_rows0, sub_rows1]
        packs = [pack0, pack1]
        gathers = [None] * nchunk
        writes = [None] * nchunk

        def fire(j):
            isl = pl.ds(j * CHUNK, CHUNK)
            gathers[j] = pltpu.async_copy(
                sub_tab_hbm.at[sub_idx_v.at[isl]], sub_bufs[j % 2], sem_g)

        fire(0)
        for j in range(nchunk):
            if j + 1 < nchunk:
                if j - 1 >= 0:
                    writes[j - 1].wait()
                fire(j + 1)
            gathers[j].wait()
            b = j % 2
            sb, pb = sub_bufs[b], packs[b]

            def pack_row(r, _):
                r0 = 2 * r
                r1 = 2 * r + 1
                for k in (0, 1):
                    sl = pl.ds(k * 16, 16)
                    pb.at[r][sl] = sb.at[r0][sl]
                    pb.at[r][pl.ds(64 + k * 16, 16)] = sb.at[r1][sl]
                return 0

            lax.fori_loop(0, PCHUNK, pack_row, 0)
            writes[j] = pltpu.async_copy(
                pb, x_out.at[pl.ds(pbase + j * PCHUNK, PCHUNK)], sem_w)
        writes[nchunk - 2].wait()
        writes[nchunk - 1].wait()

    return _sc_gather


NHALF = 2
HBATCH = BATCH // NHALF
_sc_gather_half = _make_sc_gather(HBATCH)


def _mlp_body(x_ref, oh_ref, tt_ref, ct_ref,
              w1_ref, b1_ref, w2_ref, b2_ref, w3_ref, b3_ref, out_ref):
    blk = x_ref[...]
    xc = jnp.concatenate([blk[:, :64], blk[:, 64:]], axis=0)
    x = xc[:, :32].astype(jnp.bfloat16)
    w1 = w1_ref[...].astype(jnp.bfloat16)
    tt = tt_ref[...].astype(jnp.bfloat16)
    ct = ct_ref[...].astype(jnp.bfloat16)
    w1t = jnp.dot(tt, w1[32:48], preferred_element_type=jnp.float32)
    w1c = jnp.dot(ct, w1[48:56], preferred_element_type=jnp.float32)
    ohb = oh_ref[...]
    ohc = jnp.concatenate([ohb[:, :64], ohb[:, 64:]], axis=0)
    oh_t = ohc[:, :16]
    oh_c = ohc[:, 16:32]
    h = (jnp.dot(x, w1[:32], preferred_element_type=jnp.float32)
         + jnp.dot(oh_t, w1t.astype(jnp.bfloat16),
                   preferred_element_type=jnp.float32)
         + jnp.dot(oh_c, w1c.astype(jnp.bfloat16),
                   preferred_element_type=jnp.float32)
         + b1_ref[...])
    h = jnp.maximum(h, 0.0).astype(jnp.bfloat16)
    w2 = w2_ref[...].astype(jnp.bfloat16)
    w3 = w3_ref[...].astype(jnp.bfloat16)
    h = jnp.dot(h, w2, preferred_element_type=jnp.float32) + b2_ref[...]
    h = jnp.maximum(h, 0.0).astype(jnp.bfloat16)
    y = jnp.dot(h, w3, preferred_element_type=jnp.float32) + b3_ref[...]
    n = y.shape[0] // 2
    out_ref[...] = jnp.stack([y[:n], y[n:]], axis=1).reshape(2 * n, 64)


P_BLK = 2048


def _mlp(x, oh, tt, ct, w1, b1, w2, b2, w3, b3):
    nbatch = 2 * x.shape[0]
    full = lambda shape: pl.BlockSpec(shape, lambda i: tuple(0 for _ in shape))
    return pl.pallas_call(
        _mlp_body,
        grid=(nbatch // 2 // P_BLK,),
        in_specs=[
            pl.BlockSpec((P_BLK, LANES), lambda i: (i, 0)),
            pl.BlockSpec((P_BLK, LANES), lambda i: (i, 0)),
            full((16, 16)),
            full((16, 8)),
            full((56, 512)),
            full((512,)),
            full((512, 128)),
            full((128,)),
            full((128, 64)),
            full((64,)),
        ],
        out_specs=pl.BlockSpec((2 * P_BLK, 64), lambda i: (i, 0)),
        out_shape=jax.ShapeDtypeStruct((nbatch, 64), jnp.float32),
    )(x, oh, tt, ct, w1, b1, w2, b2, w3, b3)


def kernel(subcontractor_id, primary_trade_id, certification_id,
           sub_table, trade_table, cert_table,
           W1, b1, W2, b2, W3, b3):
    sub_idx = subcontractor_id.astype(jnp.int32)
    sub_tab_p = jnp.pad(sub_table, ((0, 0), (0, LANES - 32)))

    iota16 = jnp.arange(16)
    oh_row = jnp.concatenate([
        (primary_trade_id[:, None] == iota16).astype(jnp.bfloat16),
        (certification_id[:, None] == iota16).astype(jnp.bfloat16),
        jnp.zeros((BATCH, 32), jnp.bfloat16),
    ], axis=1)
    oh = oh_row.reshape(BATCH // 2, LANES)

    tt = jnp.pad(trade_table, ((0, 5), (0, 0)))
    ct = jnp.pad(cert_table, ((0, 7), (0, 0)))

    ys = []
    for hh in range(NHALF):
        xh = _sc_gather_half(sub_idx[hh * HBATCH:(hh + 1) * HBATCH],
                             sub_tab_p)
        ys.append(_mlp(xh, oh[hh * (HBATCH // 2):(hh + 1) * (HBATCH // 2)],
                       tt, ct, W1, b1, W2, b2, W3, b3))
    return jnp.concatenate(ys, axis=0)

# --- scband reference (transcript-rebuilt; emitter-appended) ---
"""Pipeline reference for scband-subcontractor-tower-34359739198 (READ-ONLY COPY).

The authoritative reference and input builder live on the scoring server;
editing this copy changes nothing except your own understanding.
"""

import jax, jax.numpy as jnp
import numpy as np

SUBCONTRACTOR_CARDINALITY = 10000
TRADE_CARDINALITY = 10
CERTIFICATION_CARDINALITY = 8
SUB_ID_EMBED_DIM = 32
PRIMARY_TRADE_EMBED_DIM = 16
CERTIFICATION_EMBED_DIM = 8
BATCH = 16384


def setup_inputs(seed: int = 0) -> dict:
    key = jax.random.key(seed)
    ks = jax.random.split(key, 12)
    subcontractor_id = jax.random.randint(ks[0], (BATCH,), 0, SUBCONTRACTOR_CARDINALITY + 1, dtype=jnp.int64 if jax.config.jax_enable_x64 else jnp.int32)
    primary_trade_id = jax.random.randint(ks[1], (BATCH,), 0, TRADE_CARDINALITY + 1, dtype=jnp.int64 if jax.config.jax_enable_x64 else jnp.int32)
    certification_id = jax.random.randint(ks[2], (BATCH,), 0, CERTIFICATION_CARDINALITY + 1, dtype=jnp.int64 if jax.config.jax_enable_x64 else jnp.int32)
    sub_table = jax.random.normal(ks[3], (SUBCONTRACTOR_CARDINALITY + 1, SUB_ID_EMBED_DIM), dtype=jnp.float32)
    trade_table = jax.random.normal(ks[4], (TRADE_CARDINALITY + 1, PRIMARY_TRADE_EMBED_DIM), dtype=jnp.float32)
    cert_table = jax.random.normal(ks[5], (CERTIFICATION_CARDINALITY + 1, CERTIFICATION_EMBED_DIM), dtype=jnp.float32)
    concat_dim = SUB_ID_EMBED_DIM + PRIMARY_TRADE_EMBED_DIM + CERTIFICATION_EMBED_DIM
    W1 = jax.random.normal(ks[6], (concat_dim, 512), dtype=jnp.float32) * 0.05
    b1 = jnp.zeros((512,), dtype=jnp.float32)
    W2 = jax.random.normal(ks[7], (512, 128), dtype=jnp.float32) * 0.05
    b2 = jnp.zeros((128,), dtype=jnp.float32)
    W3 = jax.random.normal(ks[8], (128, 64), dtype=jnp.float32) * 0.05
    b3 = jnp.zeros((64,), dtype=jnp.float32)
    return {
        "subcontractor_id": subcontractor_id,
        "primary_trade_id": primary_trade_id,
        "certification_id": certification_id,
        "sub_table": sub_table,
        "trade_table": trade_table,
        "cert_table": cert_table,
        "W1": W1, "b1": b1, "W2": W2, "b2": b2, "W3": W3, "b3": b3,
    }


def reference(subcontractor_id, primary_trade_id, certification_id,
              sub_table, trade_table, cert_table,
              W1, b1, W2, b2, W3, b3):
    sub_e = jnp.take(sub_table, subcontractor_id, axis=0)
    trade_e = jnp.take(trade_table, primary_trade_id, axis=0)
    cert_e = jnp.take(cert_table, certification_id, axis=0)
    x = jnp.concatenate([sub_e, trade_e, cert_e], axis=1)
    h = jax.nn.relu(x @ W1 + b1)
    h = jax.nn.relu(h @ W2 + b2)
    out = h @ W3 + b3
    return out

if __name__ == "__main__":
    import jax
    _d = setup_inputs()
    print(jax.jit(kernel)(*tuple(_d.values())))

</pallas_src>

<mosaic_0001>
#map = affine_map<(d0, d1) -> (0)>
#map1 = affine_map<(d0, d1) -> (0, 0)>
module attributes {stable_mosaic.version = 14 : i64} {
  func.func @_sc_gather(%arg0: i32, %arg1: i32, %arg2: memref<8192xi32, #tpu.memory_space<hbm>>, %arg3: memref<10001x128xf32, #tpu.memory_space<hbm>>, %arg4: memref<4096x128xf32, #tpu.memory_space<hbm>>, %arg5: memref<256xi32, #tpu.memory_space<vmem>>, %arg6: memref<128x128xf32, #tpu.memory_space<vmem>>, %arg7: memref<128x128xf32, #tpu.memory_space<vmem>>, %arg8: memref<64x128xf32, #tpu.memory_space<vmem>>, %arg9: memref<64x128xf32, #tpu.memory_space<vmem>>, %arg10: memref<!tpu.dma_semaphore, #tpu.memory_space<semaphore_mem>>, %arg11: memref<!tpu.dma_semaphore, #tpu.memory_space<semaphore_mem>>) attributes {dimension_semantics = [#tpu.dimension_semantics<core_parallel>, #tpu.dimension_semantics<subcore_parallel>], iteration_bounds = array<i64: 2, 16>, scalar_prefetch = 0 : i64, scratch_operands = 7 : i64, tpu.core_type = #tpu.core_type<sc_vector_subcore>, window_params = [{transform_indices = #map}, {transform_indices = #map1}, {transform_indices = #map1}]} {
    %mul3A = arith.constant 2 : i32
    %mul3A_0 = arith.muli %arg1, %mul3A : i32
    %add3A = arith.addi %mul3A_0, %arg0 : i32
    %mul3A_1 = arith.constant 256 : i32
    %mul3A_2 = arith.muli %add3A, %mul3A_1 : i32
    %mul3A_3 = arith.constant 128 : i32
    %mul3A_4 = arith.muli %add3A, %mul3A_3 : i32
    "tpu.region"() ({
      %run_scoped3A = tpu.sem_alloc : memref<!tpu.dma_semaphore, #tpu.memory_space<semaphore_mem>>
      %dma_start3A_56 = tpu.memref_slice %arg2[%mul3A_2] : memref<8192xi32, #tpu.memory_space<hbm>> -> memref<256xi32, #tpu.memory_space<hbm>>
      %dma_start3A_57 = tpu.memref_slice %arg2[%mul3A_2] : memref<8192xi32, #tpu.memory_space<hbm>> -> memref<256xi32, #tpu.memory_space<hbm>>
      tpu.enqueue_dma source(%dma_start3A_57 : memref<256xi32, #tpu.memory_space<hbm>>) target(%arg5 : memref<256xi32, #tpu.memory_space<vmem>>) target_semaphore(%run_scoped3A : memref<!tpu.dma_semaphore, #tpu.memory_space<semaphore_mem>>)
      %dma_wait3A_58 = tpu.memref_slice %arg2[%mul3A_2] : memref<8192xi32, #tpu.memory_space<hbm>> -> memref<256xi32, #tpu.memory_space<hbm>>
      %dma_wait3A_59 = tpu.memref_slice %arg2[%mul3A_2] : memref<8192xi32, #tpu.memory_space<hbm>> -> memref<256xi32, #tpu.memory_space<hbm>>
      tpu.wait_dma2 semaphore(%run_scoped3A : memref<!tpu.dma_semaphore, #tpu.memory_space<semaphore_mem>>) src(%dma_wait3A_59 : memref<256xi32, #tpu.memory_space<hbm>>) dst(%arg5 : memref<256xi32, #tpu.memory_space<vmem>>)
      tpu.yield
    }) : () -> ()
    %dma_start3A = arith.constant 0 : i32
    %dma_start3A_5 = tpu.memref_slice %arg5[%dma_start3A] : memref<256xi32, #tpu.memory_space<vmem>> -> memref<128xi32, #tpu.memory_space<vmem>>
    %dma_start3A_6 = arith.constant 0 : i32
    %dma_start3A_7 = arith.constant 0 : i32
    %dma_start3A_8 = tpu.memref_slice %arg3[%dma_start3A_6, %dma_start3A_7] : memref<10001x128xf32, #tpu.memory_space<hbm>> -> memref<10001x128xf32, #tpu.memory_space<hbm>>
    tpu.enqueue_indirect_dma source(%dma_start3A_8 : memref<10001x128xf32, #tpu.memory_space<hbm>>) target(%arg6 : memref<128x128xf32, #tpu.memory_space<vmem>>) offsets(%dma_start3A_5 : memref<128xi32, #tpu.memory_space<vmem>>) semaphore(%arg10 : memref<!tpu.dma_semaphore, #tpu.memory_space<semaphore_mem>>)
    %dma_start3A_9 = arith.constant 128 : i32
    %dma_start3A_10 = tpu.memref_slice %arg5[%dma_start3A_9] : memref<256xi32, #tpu.memory_space<vmem>> -> memref<128xi32, #tpu.memory_space<vmem>>
    %dma_start3A_11 = arith.constant 0 : i32
    %dma_start3A_12 = arith.constant 0 : i32
    %dma_start3A_13 = tpu.memref_slice %arg3[%dma_start3A_11, %dma_start3A_12] : memref<10001x128xf32, #tpu.memory_space<hbm>> -> memref<10001x128xf32, #tpu.memory_space<hbm>>
    tpu.enqueue_indirect_dma source(%dma_start3A_13 : memref<10001x128xf32, #tpu.memory_space<hbm>>) target(%arg7 : memref<128x128xf32, #tpu.memory_space<vmem>>) offsets(%dma_start3A_10 : memref<128xi32, #tpu.memory_space<vmem>>) semaphore(%arg10 : memref<!tpu.dma_semaphore, #tpu.memory_space<semaphore_mem>>)
    %dma_wait3A = arith.constant 0 : i32
    %dma_wait3A_14 = tpu.memref_slice %arg5[%dma_wait3A] : memref<256xi32, #tpu.memory_space<vmem>> -> memref<128xi32, #tpu.memory_space<vmem>>
    %dma_wait3A_15 = arith.constant 0 : i32
    %dma_wait3A_16 = arith.constant 0 : i32
    %dma_wait3A_17 = tpu.memref_slice %arg3[%dma_wait3A_15, %dma_wait3A_16] : memref<10001x128xf32, #tpu.memory_space<hbm>> -> memref<10001x128xf32, #tpu.memory_space<hbm>>
    tpu.wait_indirect_dma semaphore(%arg10 : memref<!tpu.dma_semaphore, #tpu.memory_space<semaphore_mem>>) src(%dma_wait3A_17 : memref<10001x128xf32, #tpu.memory_space<hbm>>) dst(%arg6 : memref<128x128xf32, #tpu.memory_space<vmem>>)
    %scan3A = arith.constant 0 : i32
    %scan3A_18 = arith.constant 0 : i32
    %scan3A_19 = arith.constant 64 : i32
    %scan3A_20 = arith.addi %scan3A_18, %scan3A_19 : i32
    %scan3A_21 = arith.constant 1 : i32
    %scan3A_22 = scf.for %scan3A_56 = %scan3A_18 to %scan3A_20 step %scan3A_21 iter_args(%scan3A_57 = %scan3A) -> (i32)  : i32 {
      %mul3A_58 = arith.constant 2 : i32
      %mul3A_59 = arith.muli %mul3A_58, %scan3A_56 : i32
      %mul3A_60 = arith.constant 2 : i32
      %mul3A_61 = arith.muli %mul3A_60, %scan3A_56 : i32
      %add3A_62 = arith.constant 1 : i32
      %add3A_63 = arith.addi %mul3A_61, %add3A_62 : i32
      %get3A = arith.constant 0 : i32
      %get3A_64 = tpu.memref_slice %arg6[%mul3A_59, %get3A] : memref<128x128xf32, #tpu.memory_space<vmem>> -> memref<1x128xf32, #tpu.memory_space<vmem>>
      %get3A_65 = tpu.memref_squeeze %get3A_64 : memref<1x128xf32, #tpu.memory_space<vmem>> -> memref<128xf32, #tpu.memory_space<vmem>>
      %get3A_66 = arith.constant 0 : index
      %get3A_67 = tpu.vector_load %get3A_65[%get3A_66] {strides = array<i32>} : memref<128xf32, #tpu.memory_space<vmem>>, vector<16xf32>,
      %get3A_68 = vector.shape_cast %get3A_67 : vector<16xf32> to vector<16xf32>
      %swap3A = arith.constant 0 : i32
      %swap3A_69 = tpu.memref_slice %arg8[%scan3A_56, %swap3A] : memref<64x128xf32, #tpu.memory_space<vmem>> -> memref<1x128xf32, #tpu.memory_space<vmem>>
      %swap3A_70 = tpu.memref_squeeze %swap3A_69 : memref<1x128xf32, #tpu.memory_space<vmem>> -> memref<128xf32, #tpu.memory_space<vmem>>
      %swap3A_71 = arith.constant 0 : index
      %swap3A_72 = tpu.vector_load %swap3A_70[%swap3A_71] {strides = array<i32>} : memref<128xf32, #tpu.memory_space<vmem>>, vector<16xf32>,
      %swap3A_73 = vector.shape_cast %swap3A_72 : vector<16xf32> to vector<16xf32>
      %swap3A_74 = vector.shape_cast %get3A_68 : vector<16xf32> to vector<16xf32>
      tpu.vector_store %swap3A_70[%swap3A_71], %swap3A_74 {strides = array<i32>} : memref<128xf32, #tpu.memory_space<vmem>>, vector<16xf32>,
      %get3A_75 = arith.constant 0 : i32
      %get3A_76 = tpu.memref_slice %arg6[%add3A_63, %get3A_75] : memref<128x128xf32, #tpu.memory_space<vmem>> -> memref<1x128xf32, #tpu.memory_space<vmem>>
      %get3A_77 = tpu.memref_squeeze %get3A_76 : memref<1x128xf32, #tpu.memory_space<vmem>> -> memref<128xf32, #tpu.memory_space<vmem>>
      %get3A_78 = arith.constant 0 : index
      %get3A_79 = tpu.vector_load %get3A_77[%get3A_78] {strides = array<i32>} : memref<128xf32, #tpu.memory_space<vmem>>, vector<16xf32>,
      %get3A_80 = vector.shape_cast %get3A_79 : vector<16xf32> to vector<16xf32>
      %swap3A_81 = arith.constant 0 : i32
      %swap3A_82 = tpu.memref_slice %arg8[%scan3A_56, %swap3A_81] : memref<64x128xf32, #tpu.memory_space<vmem>> -> memref<1x128xf32, #tpu.memory_space<vmem>>
      %swap3A_83 = tpu.memref_squeeze %swap3A_82 : memref<1x128xf32, #tpu.memory_space<vmem>> -> memref<128xf32, #tpu.memory_space<vmem>>
      %swap3A_84 = arith.constant 64 : index
      %swap3A_85 = tpu.vector_load %swap3A_83[%swap3A_84] {strides = array<i32>} : memref<128xf32, #tpu.memory_space<vmem>>, vector<16xf32>,
      %swap3A_86 = vector.shape_cast %swap3A_85 : vector<16xf32> to vector<16xf32>
      %swap3A_87 = vector.shape_cast %get3A_80 : vector<16xf32> to vector<16xf32>
      tpu.vector_store %swap3A_83[%swap3A_84], %swap3A_87 {strides = array<i32>} : memref<128xf32, #tpu.memory_space<vmem>>, vector<16xf32>,
      %get3A_88 = arith.constant 0 : i32
      %get3A_89 = tpu.memref_slice %arg6[%mul3A_59, %get3A_88] : memref<128x128xf32, #tpu.memory_space<vmem>> -> memref<1x128xf32, #tpu.memory_space<vmem>>
      %get3A_90 = tpu.memref_squeeze %get3A_89 : memref<1x128xf32, #tpu.memory_space<vmem>> -> memref<128xf32, #tpu.memory_space<vmem>>
      %get3A_91 = arith.constant 16 : index
      %get3A_92 = tpu.vector_load %get3A_90[%get3A_91] {strides = array<i32>} : memref<128xf32, #tpu.memory_space<vmem>>, vector<16xf32>,
      %get3A_93 = vector.shape_cast %get3A_92 : vector<16xf32> to vector<16xf32>
      %swap3A_94 = arith.constant 0 : i32
      %swap3A_95 = tpu.memref_slice %arg8[%scan3A_56, %swap3A_94] : memref<64x128xf32, #tpu.memory_space<vmem>> -> memref<1x128xf32, #tpu.memory_space<vmem>>
      %swap3A_96 = tpu.memref_squeeze %swap3A_95 : memref<1x128xf32, #tpu.memory_space<vmem>> -> memref<128xf32, #tpu.memory_space<vmem>>
      %swap3A_97 = arith.constant 16 : index
      %swap3A_98 = tpu.vector_load %swap3A_96[%swap3A_97] {strides = array<i32>} : memref<128xf32, #tpu.memory_space<vmem>>, vector<16xf32>,
      %swap3A_99 = vector.shape_cast %swap3A_98 : vector<16xf32> to vector<16xf32>
      %swap3A_100 = vector.shape_cast %get3A_93 : vector<16xf32> to vector<16xf32>
      tpu.vector_store %swap3A_96[%swap3A_97], %swap3A_100 {strides = array<i32>} : memref<128xf32, #tpu.memory_space<vmem>>, vector<16xf32>,
      %get3A_101 = arith.constant 0 : i32
      %get3A_102 = tpu.memref_slice %arg6[%add3A_63, %get3A_101] : memref<128x128xf32, #tpu.memory_space<vmem>> -> memref<1x128xf32, #tpu.memory_space<vmem>>
      %get3A_103 = tpu.memref_squeeze %get3A_102 : memref<1x128xf32, #tpu.memory_space<vmem>> -> memref<128xf32, #tpu.memory_space<vmem>>
      %get3A_104 = arith.constant 16 : index
      %get3A_105 = tpu.vector_load %get3A_103[%get3A_104] {strides = array<i32>} : memref<128xf32, #tpu.memory_space<vmem>>, vector<16xf32>,
      %get3A_106 = vector.shape_cast %get3A_105 : vector<16xf32> to vector<16xf32>
      %swap3A_107 = arith.constant 0 : i32
      %swap3A_108 = tpu.memref_slice %arg8[%scan3A_56, %swap3A_107] : memref<64x128xf32, #tpu.memory_space<vmem>> -> memref<1x128xf32, #tpu.memory_space<vmem>>
      %swap3A_109 = tpu.memref_squeeze %swap3A_108 : memref<1x128xf32, #tpu.memory_space<vmem>> -> memref<128xf32, #tpu.memory_space<vmem>>
      %swap3A_110 = arith.constant 80 : index
      %swap3A_111 = tpu.vector_load %swap3A_109[%swap3A_110] {strides = array<i32>} : memref<128xf32, #tpu.memory_space<vmem>>, vector<16xf32>,
      %swap3A_112 = vector.shape_cast %swap3A_111 : vector<16xf32> to vector<16xf32>
      %swap3A_113 = vector.shape_cast %get3A_106 : vector<16xf32> to vector<16xf32>
      tpu.vector_store %swap3A_109[%swap3A_110], %swap3A_113 {strides = array<i32>} : memref<128xf32, #tpu.memory_space<vmem>>, vector<16xf32>,
      %scan3A_114 = arith.constant 0 : i32
      scf.yield %scan3A_114 : i32
    }
    %scan3A_23 = arith.constant 64 : i32
    %add3A_24 = arith.constant 0 : i32
    %add3A_25 = arith.addi %mul3A_4, %add3A_24 : i32
    %dma_start3A_26 = arith.constant 0 : i32
    %dma_start3A_27 = tpu.memref_slice %arg4[%add3A_25, %dma_start3A_26] : memref<4096x128xf32, #tpu.memory_space<hbm>> -> memref<64x128xf32, #tpu.memory_space<hbm>>
    %dma_start3A_28 = arith.constant 0 : i32
    %dma_start3A_29 = tpu.memref_slice %arg4[%add3A_25, %dma_start3A_28] : memref<4096x128xf32, #tpu.memory_space<hbm>> -> memref<64x128xf32, #tpu.memory_space<hbm>>
    tpu.enqueue_dma source(%arg8 : memref<64x128xf32, #tpu.memory_space<vmem>>) target(%dma_start3A_29 : memref<64x128xf32, #tpu.memory_space<hbm>>) target_semaphore(%arg11 : memref<!tpu.dma_semaphore, #tpu.memory_space<semaphore_mem>>)
    %dma_wait3A_30 = arith.constant 128 : i32
    %dma_wait3A_31 = tpu.memref_slice %arg5[%dma_wait3A_30] : memref<256xi32, #tpu.memory_space<vmem>> -> memref<128xi32, #tpu.memory_space<vmem>>
    %dma_wait3A_32 = arith.constant 0 : i32
    %dma_wait3A_33 = arith.constant 0 : i32
    %dma_wait3A_34 = tpu.memref_slice %arg3[%dma_wait3A_32, %dma_wait3A_33] : memref<10001x128xf32, #tpu.memory_space<hbm>> -> memref<10001x128xf32, #tpu.memory_space<hbm>>
    tpu.wait_indirect_dma semaphore(%arg10 : memref<!tpu.dma_semaphore, #tpu.memory_space<semaphore_mem>>) src(%dma_wait3A_34 : memref<10001x128xf32, #tpu.memory_space<hbm>>) dst(%arg7 : memref<128x128xf32, #tpu.memory_space<vmem>>)
    %scan3A_35 = arith.constant 0 : i32
    %scan3A_36 = arith.constant 0 : i32
    %scan3A_37 = arith.constant 64 : i32
    %scan3A_38 = arith.addi %scan3A_36, %scan3A_37 : i32
    %scan3A_39 = arith.constant 1 : i32
    %scan3A_40 = scf.for %scan3A_56 = %scan3A_36 to %scan3A_38 step %scan3A_39 iter_args(%scan3A_57 = %scan3A_35) -> (i32)  : i32 {
      %mul3A_58 = arith.constant 2 : i32
      %mul3A_59 = arith.muli %mul3A_58, %scan3A_56 : i32
      %mul3A_60 = arith.constant 2 : i32
      %mul3A_61 = arith.muli %mul3A_60, %scan3A_56 : i32
      %add3A_62 = arith.constant 1 : i32
      %add3A_63 = arith.addi %mul3A_61, %add3A_62 : i32
      %get3A = arith.constant 0 : i32
      %get3A_64 = tpu.memref_slice %arg7[%mul3A_59, %get3A] : memref<128x128xf32, #tpu.memory_space<vmem>> -> memref<1x128xf32, #tpu.memory_space<vmem>>
      %get3A_65 = tpu.memref_squeeze %get3A_64 : memref<1x128xf32, #tpu.memory_space<vmem>> -> memref<128xf32, #tpu.memory_space<vmem>>
      %get3A_66 = arith.constant 0 : index
      %get3A_67 = tpu.vector_load %get3A_65[%get3A_66] {strides = array<i32>} : memref<128xf32, #tpu.memory_space<vmem>>, vector<16xf32>,
      %get3A_68 = vector.shape_cast %get3A_67 : vector<16xf32> to vector<16xf32>
      %swap3A = arith.constant 0 : i32
      %swap3A_69 = tpu.memref_slice %arg9[%scan3A_56, %swap3A] : memref<64x128xf32, #tpu.memory_space<vmem>> -> memref<1x128xf32, #tpu.memory_space<vmem>>
      %swap3A_70 = tpu.memref_squeeze %swap3A_69 : memref<1x128xf32, #tpu.memory_space<vmem>> -> memref<128xf32, #tpu.memory_space<vmem>>
      %swap3A_71 = arith.constant 0 : index
      %swap3A_72 = tpu.vector_load %swap3A_70[%swap3A_71] {strides = array<i32>} : memref<128xf32, #tpu.memory_space<vmem>>, vector<16xf32>,
      %swap3A_73 = vector.shape_cast %swap3A_72 : vector<16xf32> to vector<16xf32>
      %swap3A_74 = vector.shape_cast %get3A_68 : vector<16xf32> to vector<16xf32>
      tpu.vector_store %swap3A_70[%swap3A_71], %swap3A_74 {strides = array<i32>} : memref<128xf32, #tpu.memory_space<vmem>>, vector<16xf32>,
      %get3A_75 = arith.constant 0 : i32
      %get3A_76 = tpu.memref_slice %arg7[%add3A_63, %get3A_75] : memref<128x128xf32, #tpu.memory_space<vmem>> -> memref<1x128xf32, #tpu.memory_space<vmem>>
      %get3A_77 = tpu.memref_squeeze %get3A_76 : memref<1x128xf32, #tpu.memory_space<vmem>> -> memref<128xf32, #tpu.memory_space<vmem>>
      %get3A_78 = arith.constant 0 : index
      %get3A_79 = tpu.vector_load %get3A_77[%get3A_78] {strides = array<i32>} : memref<128xf32, #tpu.memory_space<vmem>>, vector<16xf32>,
      %get3A_80 = vector.shape_cast %get3A_79 : vector<16xf32> to vector<16xf32>
      %swap3A_81 = arith.constant 0 : i32
      %swap3A_82 = tpu.memref_slice %arg9[%scan3A_56, %swap3A_81] : memref<64x128xf32, #tpu.memory_space<vmem>> -> memref<1x128xf32, #tpu.memory_space<vmem>>
      %swap3A_83 = tpu.memref_squeeze %swap3A_82 : memref<1x128xf32, #tpu.memory_space<vmem>> -> memref<128xf32, #tpu.memory_space<vmem>>
      %swap3A_84 = arith.constant 64 : index
      %swap3A_85 = tpu.vector_load %swap3A_83[%swap3A_84] {strides = array<i32>} : memref<128xf32, #tpu.memory_space<vmem>>, vector<16xf32>,
      %swap3A_86 = vector.shape_cast %swap3A_85 : vector<16xf32> to vector<16xf32>
      %swap3A_87 = vector.shape_cast %get3A_80 : vector<16xf32> to vector<16xf32>
      tpu.vector_store %swap3A_83[%swap3A_84], %swap3A_87 {strides = array<i32>} : memref<128xf32, #tpu.memory_space<vmem>>, vector<16xf32>,
      %get3A_88 = arith.constant 0 : i32
      %get3A_89 = tpu.memref_slice %arg7[%mul3A_59, %get3A_88] : memref<128x128xf32, #tpu.memory_space<vmem>> -> memref<1x128xf32, #tpu.memory_space<vmem>>
      %get3A_90 = tpu.memref_squeeze %get3A_89 : memref<1x128xf32, #tpu.memory_space<vmem>> -> memref<128xf32, #tpu.memory_space<vmem>>
      %get3A_91 = arith.constant 16 : index
      %get3A_92 = tpu.vector_load %get3A_90[%get3A_91] {strides = array<i32>} : memref<128xf32, #tpu.memory_space<vmem>>, vector<16xf32>,
      %get3A_93 = vector.shape_cast %get3A_92 : vector<16xf32> to vector<16xf32>
      %swap3A_94 = arith.constant 0 : i32
      %swap3A_95 = tpu.memref_slice %arg9[%scan3A_56, %swap3A_94] : memref<64x128xf32, #tpu.memory_space<vmem>> -> memref<1x128xf32, #tpu.memory_space<vmem>>
      %swap3A_96 = tpu.memref_squeeze %swap3A_95 : memref<1x128xf32, #tpu.memory_space<vmem>> -> memref<128xf32, #tpu.memory_space<vmem>>
      %swap3A_97 = arith.constant 16 : index
      %swap3A_98 = tpu.vector_load %swap3A_96[%swap3A_97] {strides = array<i32>} : memref<128xf32, #tpu.memory_space<vmem>>, vector<16xf32>,
      %swap3A_99 = vector.shape_cast %swap3A_98 : vector<16xf32> to vector<16xf32>
      %swap3A_100 = vector.shape_cast %get3A_93 : vector<16xf32> to vector<16xf32>
      tpu.vector_store %swap3A_96[%swap3A_97], %swap3A_100 {strides = array<i32>} : memref<128xf32, #tpu.memory_space<vmem>>, vector<16xf32>,
      %get3A_101 = arith.constant 0 : i32
      %get3A_102 = tpu.memref_slice %arg7[%add3A_63, %get3A_101] : memref<128x128xf32, #tpu.memory_space<vmem>> -> memref<1x128xf32, #tpu.memory_space<vmem>>
      %get3A_103 = tpu.memref_squeeze %get3A_102 : memref<1x128xf32, #tpu.memory_space<vmem>> -> memref<128xf32, #tpu.memory_space<vmem>>
      %get3A_104 = arith.constant 16 : index
      %get3A_105 = tpu.vector_load %get3A_103[%get3A_104] {strides = array<i32>} : memref<128xf32, #tpu.memory_space<vmem>>, vector<16xf32>,
      %get3A_106 = vector.shape_cast %get3A_105 : vector<16xf32> to vector<16xf32>
      %swap3A_107 = arith.constant 0 : i32
      %swap3A_108 = tpu.memref_slice %arg9[%scan3A_56, %swap3A_107] : memref<64x128xf32, #tpu.memory_space<vmem>> -> memref<1x128xf32, #tpu.memory_space<vmem>>
      %swap3A_109 = tpu.memref_squeeze %swap3A_108 : memref<1x128xf32, #tpu.memory_space<vmem>> -> memref<128xf32, #tpu.memory_space<vmem>>
      %swap3A_110 = arith.constant 80 : index
      %swap3A_111 = tpu.vector_load %swap3A_109[%swap3A_110] {strides = array<i32>} : memref<128xf32, #tpu.memory_space<vmem>>, vector<16xf32>,
      %swap3A_112 = vector.shape_cast %swap3A_111 : vector<16xf32> to vector<16xf32>
      %swap3A_113 = vector.shape_cast %get3A_106 : vector<16xf32> to vector<16xf32>
      tpu.vector_store %swap3A_109[%swap3A_110], %swap3A_113 {strides = array<i32>} : memref<128xf32, #tpu.memory_space<vmem>>, vector<16xf32>,
      %scan3A_114 = arith.constant 0 : i32
      scf.yield %scan3A_114 : i32
    }
    %scan3A_41 = arith.constant 64 : i32
    %add3A_42 = arith.constant 64 : i32
    %add3A_43 = arith.addi %mul3A_4, %add3A_42 : i32
    %dma_start3A_44 = arith.constant 0 : i32
    %dma_start3A_45 = tpu.memref_slice %arg4[%add3A_43, %dma_start3A_44] : memref<4096x128xf32, #tpu.memory_space<hbm>> -> memref<64x128xf32, #tpu.memory_space<hbm>>
    %dma_start3A_46 = arith.constant 0 : i32
    %dma_start3A_47 = tpu.memref_slice %arg4[%add3A_43, %dma_start3A_46] : memref<4096x128xf32, #tpu.memory_space<hbm>> -> memref<64x128xf32, #tpu.memory_space<hbm>>
    tpu.enqueue_dma source(%arg9 : memref<64x128xf32, #tpu.memory_space<vmem>>) target(%dma_start3A_47 : memref<64x128xf32, #tpu.memory_space<hbm>>) target_semaphore(%arg11 : memref<!tpu.dma_semaphore, #tpu.memory_space<semaphore_mem>>)
    %dma_wait3A_48 = arith.constant 0 : i32
    %dma_wait3A_49 = tpu.memref_slice %arg4[%add3A_25, %dma_wait3A_48] : memref<4096x128xf32, #tpu.memory_space<hbm>> -> memref<64x128xf32, #tpu.memory_space<hbm>>
    %dma_wait3A_50 = arith.constant 0 : i32
    %dma_wait3A_51 = tpu.memref_slice %arg4[%add3A_25, %dma_wait3A_50] : memref<4096x128xf32, #tpu.memory_space<hbm>> -> memref<64x128xf32, #tpu.memory_space<hbm>>
    tpu.wait_dma2 semaphore(%arg11 : memref<!tpu.dma_semaphore, #tpu.memory_space<semaphore_mem>>) src(%arg8 : memref<64x128xf32, #tpu.memory_space<vmem>>) dst(%dma_wait3A_51 : memref<64x128xf32, #tpu.memory_space<hbm>>)
    %dma_wait3A_52 = arith.constant 0 : i32
    %dma_wait3A_53 = tpu.memref_slice %arg4[%add3A_43, %dma_wait3A_52] : memref<4096x128xf32, #tpu.memory_space<hbm>> -> memref<64x128xf32, #tpu.memory_space<hbm>>
    %dma_wait3A_54 = arith.constant 0 : i32
    %dma_wait3A_55 = tpu.memref_slice %arg4[%add3A_43, %dma_wait3A_54] : memref<4096x128xf32, #tpu.memory_space<hbm>> -> memref<64x128xf32, #tpu.memory_space<hbm>>
    tpu.wait_dma2 semaphore(%arg11 : memref<!tpu.dma_semaphore, #tpu.memory_space<semaphore_mem>>) src(%arg9 : memref<64x128xf32, #tpu.memory_space<vmem>>) dst(%dma_wait3A_55 : memref<64x128xf32, #tpu.memory_space<hbm>>)
    return
  }
}

#map = affine_map<(d0, d1) -> (0)>
#map1 = affine_map<(d0, d1) -> (0, 0)>
module attributes {stable_mosaic.version = 14 : i64} {
  func.func @_sc_gather(%arg0: i32, %arg1: i32, %arg2: memref<8192xi32, #tpu.memory_space<hbm>>, %arg3: memref<10001x128xf32, #tpu.memory_space<hbm>>, %arg4: memref<4096x128xf32, #tpu.memory_space<hbm>>, %arg5: memref<256xi32, #tpu.memory_space<vmem>>, %arg6: memref<128x128xf32, #tpu.memory_space<vmem>>, %arg7: memref<128x128xf32, #tpu.memory_space<vmem>>, %arg8: memref<64x128xf32, #tpu.memory_space<vmem>>, %arg9: memref<64x128xf32, #tpu.memory_space<vmem>>, %arg10: memref<!tpu.dma_semaphore, #tpu.memory_space<semaphore_mem>>, %arg11: memref<!tpu.dma_semaphore, #tpu.memory_space<semaphore_mem>>) attributes {dimension_semantics = [#tpu.dimension_semantics<core_parallel>, #tpu.dimension_semantics<subcore_parallel>], iteration_bounds = array<i64: 2, 16>, scalar_prefetch = 0 : i64, scratch_operands = 7 : i64, tpu.core_type = #tpu.core_type<sc_vector_subcore>, window_params = [{transform_indices = #map}, {transform_indices = #map1}, {transform_indices = #map1}]} {
    %mul3A = arith.constant 2 : i32
    %mul3A_0 = arith.muli %arg1, %mul3A : i32
    %add3A = arith.addi %mul3A_0, %arg0 : i32
    %mul3A_1 = arith.constant 256 : i32
    %mul3A_2 = arith.muli %add3A, %mul3A_1 : i32
    %mul3A_3 = arith.constant 128 : i32
    %mul3A_4 = arith.muli %add3A, %mul3A_3 : i32
    "tpu.region"() ({
      %run_scoped3A = tpu.sem_alloc : memref<!tpu.dma_semaphore, #tpu.memory_space<semaphore_mem>>
      %dma_start3A_56 = tpu.memref_slice %arg2[%mul3A_2] : memref<8192xi32, #tpu.memory_space<hbm>> -> memref<256xi32, #tpu.memory_space<hbm>>
      %dma_start3A_57 = tpu.memref_slice %arg2[%mul3A_2] : memref<8192xi32, #tpu.memory_space<hbm>> -> memref<256xi32, #tpu.memory_space<hbm>>
      tpu.enqueue_dma source(%dma_start3A_57 : memref<256xi32, #tpu.memory_space<hbm>>) target(%arg5 : memref<256xi32, #tpu.memory_space<vmem>>) target_semaphore(%run_scoped3A : memref<!tpu.dma_semaphore, #tpu.memory_space<semaphore_mem>>)
      %dma_wait3A_58 = tpu.memref_slice %arg2[%mul3A_2] : memref<8192xi32, #tpu.memory_space<hbm>> -> memref<256xi32, #tpu.memory_space<hbm>>
      %dma_wait3A_59 = tpu.memref_slice %arg2[%mul3A_2] : memref<8192xi32, #tpu.memory_space<hbm>> -> memref<256xi32, #tpu.memory_space<hbm>>
      tpu.wait_dma2 semaphore(%run_scoped3A : memref<!tpu.dma_semaphore, #tpu.memory_space<semaphore_mem>>) src(%dma_wait3A_59 : memref<256xi32, #tpu.memory_space<hbm>>) dst(%arg5 : memref<256xi32, #tpu.memory_space<vmem>>)
      tpu.yield
    }) : () -> ()
    %dma_start3A = arith.constant 0 : i32
    %dma_start3A_5 = tpu.memref_slice %arg5[%dma_start3A] : memref<256xi32, #tpu.memory_space<vmem>> -> memref<128xi32, #tpu.memory_space<vmem>>
    %dma_start3A_6 = arith.constant 0 : i32
    %dma_start3A_7 = arith.constant 0 : i32
    %dma_start3A_8 = tpu.memref_slice %arg3[%dma_start3A_6, %dma_start3A_7] : memref<10001x128xf32, #tpu.memory_space<hbm>> -> memref<10001x128xf32, #tpu.memory_space<hbm>>
    tpu.enqueue_indirect_dma source(%dma_start3A_8 : memref<10001x128xf32, #tpu.memory_space<hbm>>) target(%arg6 : memref<128x128xf32, #tpu.memory_space<vmem>>) offsets(%dma_start3A_5 : memref<128xi32, #tpu.memory_space<vmem>>) semaphore(%arg10 : memref<!tpu.dma_semaphore, #tpu.memory_space<semaphore_mem>>)
    %dma_start3A_9 = arith.constant 128 : i32
    %dma_start3A_10 = tpu.memref_slice %arg5[%dma_start3A_9] : memref<256xi32, #tpu.memory_space<vmem>> -> memref<128xi32, #tpu.memory_space<vmem>>
    %dma_start3A_11 = arith.constant 0 : i32
    %dma_start3A_12 = arith.constant 0 : i32
    %dma_start3A_13 = tpu.memref_slice %arg3[%dma_start3A_11, %dma_start3A_12] : memref<10001x128xf32, #tpu.memory_space<hbm>> -> memref<10001x128xf32, #tpu.memory_space<hbm>>
    tpu.enqueue_indirect_dma source(%dma_start3A_13 : memref<10001x128xf32, #tpu.memory_space<hbm>>) target(%arg7 : memref<128x128xf32, #tpu.memory_space<vmem>>) offsets(%dma_start3A_10 : memref<128xi32, #tpu.memory_space<vmem>>) semaphore(%arg10 : memref<!tpu.dma_semaphore, #tpu.memory_space<semaphore_mem>>)
    %dma_wait3A = arith.constant 0 : i32
    %dma_wait3A_14 = tpu.memref_slice %arg5[%dma_wait3A] : memref<256xi32, #tpu.memory_space<vmem>> -> memref<128xi32, #tpu.memory_space<vmem>>
    %dma_wait3A_15 = arith.constant 0 : i32
    %dma_wait3A_16 = arith.constant 0 : i32
    %dma_wait3A_17 = tpu.memref_slice %arg3[%dma_wait3A_15, %dma_wait3A_16] : memref<10001x128xf32, #tpu.memory_space<hbm>> -> memref<10001x128xf32, #tpu.memory_space<hbm>>
    tpu.wait_indirect_dma semaphore(%arg10 : memref<!tpu.dma_semaphore, #tpu.memory_space<semaphore_mem>>) src(%dma_wait3A_17 : memref<10001x128xf32, #tpu.memory_space<hbm>>) dst(%arg6 : memref<128x128xf32, #tpu.memory_space<vmem>>)
    %scan3A = arith.constant 0 : i32
    %scan3A_18 = arith.constant 0 : i32
    %scan3A_19 = arith.constant 64 : i32
    %scan3A_20 = arith.addi %scan3A_18, %scan3A_19 : i32
    %scan3A_21 = arith.constant 1 : i32
    %scan3A_22 = scf.for %scan3A_56 = %scan3A_18 to %scan3A_20 step %scan3A_21 iter_args(%scan3A_57 = %scan3A) -> (i32)  : i32 {
      %mul3A_58 = arith.constant 2 : i32
      %mul3A_59 = arith.muli %mul3A_58, %scan3A_56 : i32
      %mul3A_60 = arith.constant 2 : i32
      %mul3A_61 = arith.muli %mul3A_60, %scan3A_56 : i32
      %add3A_62 = arith.constant 1 : i32
      %add3A_63 = arith.addi %mul3A_61, %add3A_62 : i32
      %get3A = arith.constant 0 : i32
      %get3A_64 = tpu.memref_slice %arg6[%mul3A_59, %get3A] : memref<128x128xf32, #tpu.memory_space<vmem>> -> memref<1x128xf32, #tpu.memory_space<vmem>>
      %get3A_65 = tpu.memref_squeeze %get3A_64 : memref<1x128xf32, #tpu.memory_space<vmem>> -> memref<128xf32, #tpu.memory_space<vmem>>
      %get3A_66 = arith.constant 0 : index
      %get3A_67 = tpu.vector_load %get3A_65[%get3A_66] {strides = array<i32>} : memref<128xf32, #tpu.memory_space<vmem>>, vector<16xf32>,
      %get3A_68 = vector.shape_cast %get3A_67 : vector<16xf32> to vector<16xf32>
      %swap3A = arith.constant 0 : i32
      %swap3A_69 = tpu.memref_slice %arg8[%scan3A_56, %swap3A] : memref<64x128xf32, #tpu.memory_space<vmem>> -> memref<1x128xf32, #tpu.memory_space<vmem>>
      %swap3A_70 = tpu.memref_squeeze %swap3A_69 : memref<1x128xf32, #tpu.memory_space<vmem>> -> memref<128xf32, #tpu.memory_space<vmem>>
      %swap3A_71 = arith.constant 0 : index
      %swap3A_72 = tpu.vector_load %swap3A_70[%swap3A_71] {strides = array<i32>} : memref<128xf32, #tpu.memory_space<vmem>>, vector<16xf32>,
      %swap3A_73 = vector.shape_cast %swap3A_72 : vector<16xf32> to vector<16xf32>
      %swap3A_74 = vector.shape_cast %get3A_68 : vector<16xf32> to vector<16xf32>
      tpu.vector_store %swap3A_70[%swap3A_71], %swap3A_74 {strides = array<i32>} : memref<128xf32, #tpu.memory_space<vmem>>, vector<16xf32>,
      %get3A_75 = arith.constant 0 : i32
      %get3A_76 = tpu.memref_slice %arg6[%add3A_63, %get3A_75] : memref<128x128xf32, #tpu.memory_space<vmem>> -> memref<1x128xf32, #tpu.memory_space<vmem>>
      %get3A_77 = tpu.memref_squeeze %get3A_76 : memref<1x128xf32, #tpu.memory_space<vmem>> -> memref<128xf32, #tpu.memory_space<vmem>>
      %get3A_78 = arith.constant 0 : index
      %get3A_79 = tpu.vector_load %get3A_77[%get3A_78] {strides = array<i32>} : memref<128xf32, #tpu.memory_space<vmem>>, vector<16xf32>,
      %get3A_80 = vector.shape_cast %get3A_79 : vector<16xf32> to vector<16xf32>
      %swap3A_81 = arith.constant 0 : i32
      %swap3A_82 = tpu.memref_slice %arg8[%scan3A_56, %swap3A_81] : memref<64x128xf32, #tpu.memory_space<vmem>> -> memref<1x128xf32, #tpu.memory_space<vmem>>
      %swap3A_83 = tpu.memref_squeeze %swap3A_82 : memref<1x128xf32, #tpu.memory_space<vmem>> -> memref<128xf32, #tpu.memory_space<vmem>>
      %swap3A_84 = arith.constant 64 : index
      %swap3A_85 = tpu.vector_load %swap3A_83[%swap3A_84] {strides = array<i32>} : memref<128xf32, #tpu.memory_space<vmem>>, vector<16xf32>,
      %swap3A_86 = vector.shape_cast %swap3A_85 : vector<16xf32> to vector<16xf32>
      %swap3A_87 = vector.shape_cast %get3A_80 : vector<16xf32> to vector<16xf32>
      tpu.vector_store %swap3A_83[%swap3A_84], %swap3A_87 {strides = array<i32>} : memref<128xf32, #tpu.memory_space<vmem>>, vector<16xf32>,
      %get3A_88 = arith.constant 0 : i32
      %get3A_89 = tpu.memref_slice %arg6[%mul3A_59, %get3A_88] : memref<128x128xf32, #tpu.memory_space<vmem>> -> memref<1x128xf32, #tpu.memory_space<vmem>>
      %get3A_90 = tpu.memref_squeeze %get3A_89 : memref<1x128xf32, #tpu.memory_space<vmem>> -> memref<128xf32, #tpu.memory_space<vmem>>
      %get3A_91 = arith.constant 16 : index
      %get3A_92 = tpu.vector_load %get3A_90[%get3A_91] {strides = array<i32>} : memref<128xf32, #tpu.memory_space<vmem>>, vector<16xf32>,
      %get3A_93 = vector.shape_cast %get3A_92 : vector<16xf32> to vector<16xf32>
      %swap3A_94 = arith.constant 0 : i32
      %swap3A_95 = tpu.memref_slice %arg8[%scan3A_56, %swap3A_94] : memref<64x128xf32, #tpu.memory_space<vmem>> -> memref<1x128xf32, #tpu.memory_space<vmem>>
      %swap3A_96 = tpu.memref_squeeze %swap3A_95 : memref<1x128xf32, #tpu.memory_space<vmem>> -> memref<128xf32, #tpu.memory_space<vmem>>
      %swap3A_97 = arith.constant 16 : index
      %swap3A_98 = tpu.vector_load %swap3A_96[%swap3A_97] {strides = array<i32>} : memref<128xf32, #tpu.memory_space<vmem>>, vector<16xf32>,
      %swap3A_99 = vector.shape_cast %swap3A_98 : vector<16xf32> to vector<16xf32>
      %swap3A_100 = vector.shape_cast %get3A_93 : vector<16xf32> to vector<16xf32>
      tpu.vector_store %swap3A_96[%swap3A_97], %swap3A_100 {strides = array<i32>} : memref<128xf32, #tpu.memory_space<vmem>>, vector<16xf32>,
      %get3A_101 = arith.constant 0 : i32
      %get3A_102 = tpu.memref_slice %arg6[%add3A_63, %get3A_101] : memref<128x128xf32, #tpu.memory_space<vmem>> -> memref<1x128xf32, #tpu.memory_space<vmem>>
      %get3A_103 = tpu.memref_squeeze %get3A_102 : memref<1x128xf32, #tpu.memory_space<vmem>> -> memref<128xf32, #tpu.memory_space<vmem>>
      %get3A_104 = arith.constant 16 : index
      %get3A_105 = tpu.vector_load %get3A_103[%get3A_104] {strides = array<i32>} : memref<128xf32, #tpu.memory_space<vmem>>, vector<16xf32>,
      %get3A_106 = vector.shape_cast %get3A_105 : vector<16xf32> to vector<16xf32>
      %swap3A_107 = arith.constant 0 : i32
      %swap3A_108 = tpu.memref_slice %arg8[%scan3A_56, %swap3A_107] : memref<64x128xf32, #tpu.memory_space<vmem>> -> memref<1x128xf32, #tpu.memory_space<vmem>>
      %swap3A_109 = tpu.memref_squeeze %swap3A_108 : memref<1x128xf32, #tpu.memory_space<vmem>> -> memref<128xf32, #tpu.memory_space<vmem>>
      %swap3A_110 = arith.constant 80 : index
      %swap3A_111 = tpu.vector_load %swap3A_109[%swap3A_110] {strides = array<i32>} : memref<128xf32, #tpu.memory_space<vmem>>, vector<16xf32>,
      %swap3A_112 = vector.shape_cast %swap3A_111 : vector<16xf32> to vector<16xf32>
      %swap3A_113 = vector.shape_cast %get3A_106 : vector<16xf32> to vector<16xf32>
      tpu.vector_store %swap3A_109[%swap3A_110], %swap3A_113 {strides = array<i32>} : memref<128xf32, #tpu.memory_space<vmem>>, vector<16xf32>,
      %scan3A_114 = arith.constant 0 : i32
      scf.yield %scan3A_114 : i32
    }
    %scan3A_23 = arith.constant 64 : i32
    %add3A_24 = arith.constant 0 : i32
    %add3A_25 = arith.addi %mul3A_4, %add3A_24 : i32
    %dma_start3A_26 = arith.constant 0 : i32
    %dma_start3A_27 = tpu.memref_slice %arg4[%add3A_25, %dma_start3A_26] : memref<4096x128xf32, #tpu.memory_space<hbm>> -> memref<64x128xf32, #tpu.memory_space<hbm>>
    %dma_start3A_28 = arith.constant 0 : i32
    %dma_start3A_29 = tpu.memref_slice %arg4[%add3A_25, %dma_start3A_28] : memref<4096x128xf32, #tpu.memory_space<hbm>> -> memref<64x128xf32, #tpu.memory_space<hbm>>
    tpu.enqueue_dma source(%arg8 : memref<64x128xf32, #tpu.memory_space<vmem>>) target(%dma_start3A_29 : memref<64x128xf32, #tpu.memory_space<hbm>>) target_semaphore(%arg11 : memref<!tpu.dma_semaphore, #tpu.memory_space<semaphore_mem>>)
    %dma_wait3A_30 = arith.constant 128 : i32
    %dma_wait3A_31 = tpu.memref_slice %arg5[%dma_wait3A_30] : memref<256xi32, #tpu.memory_space<vmem>> -> memref<128xi32, #tpu.memory_space<vmem>>
    %dma_wait3A_32 = arith.constant 0 : i32
    %dma_wait3A_33 = arith.constant 0 : i32
    %dma_wait3A_34 = tpu.memref_slice %arg3[%dma_wait3A_32, %dma_wait3A_33] : memref<10001x128xf32, #tpu.memory_space<hbm>> -> memref<10001x128xf32, #tpu.memory_space<hbm>>
    tpu.wait_indirect_dma semaphore(%arg10 : memref<!tpu.dma_semaphore, #tpu.memory_space<semaphore_mem>>) src(%dma_wait3A_34 : memref<10001x128xf32, #tpu.memory_space<hbm>>) dst(%arg7 : memref<128x128xf32, #tpu.memory_space<vmem>>)
    %scan3A_35 = arith.constant 0 : i32
    %scan3A_36 = arith.constant 0 : i32
    %scan3A_37 = arith.constant 64 : i32
    %scan3A_38 = arith.addi %scan3A_36, %scan3A_37 : i32
    %scan3A_39 = arith.constant 1 : i32
    %scan3A_40 = scf.for %scan3A_56 = %scan3A_36 to %scan3A_38 step %scan3A_39 iter_args(%scan3A_57 = %scan3A_35) -> (i32)  : i32 {
      %mul3A_58 = arith.constant 2 : i32
      %mul3A_59 = arith.muli %mul3A_58, %scan3A_56 : i32
      %mul3A_60 = arith.constant 2 : i32
      %mul3A_61 = arith.muli %mul3A_60, %scan3A_56 : i32
      %add3A_62 = arith.constant 1 : i32
      %add3A_63 = arith.addi %mul3A_61, %add3A_62 : i32
      %get3A = arith.constant 0 : i32
      %get3A_64 = tpu.memref_slice %arg7[%mul3A_59, %get3A] : memref<128x128xf32, #tpu.memory_space<vmem>> -> memref<1x128xf32, #tpu.memory_space<vmem>>
      %get3A_65 = tpu.memref_squeeze %get3A_64 : memref<1x128xf32, #tpu.memory_space<vmem>> -> memref<128xf32, #tpu.memory_space<vmem>>
      %get3A_66 = arith.constant 0 : index
      %get3A_67 = tpu.vector_load %get3A_65[%get3A_66] {strides = array<i32>} : memref<128xf32, #tpu.memory_space<vmem>>, vector<16xf32>,
      %get3A_68 = vector.shape_cast %get3A_67 : vector<16xf32> to vector<16xf32>
      %swap3A = arith.constant 0 : i32
      %swap3A_69 = tpu.memref_slice %arg9[%scan3A_56, %swap3A] : memref<64x128xf32, #tpu.memory_space<vmem>> -> memref<1x128xf32, #tpu.memory_space<vmem>>
      %swap3A_70 = tpu.memref_squeeze %swap3A_69 : memref<1x128xf32, #tpu.memory_space<vmem>> -> memref<128xf32, #tpu.memory_space<vmem>>
      %swap3A_71 = arith.constant 0 : index
      %swap3A_72 = tpu.vector_load %swap3A_70[%swap3A_71] {strides = array<i32>} : memref<128xf32, #tpu.memory_space<vmem>>, vector<16xf32>,
      %swap3A_73 = vector.shape_cast %swap3A_72 : vector<16xf32> to vector<16xf32>
      %swap3A_74 = vector.shape_cast %get3A_68 : vector<16xf32> to vector<16xf32>
      tpu.vector_store %swap3A_70[%swap3A_71], %swap3A_74 {strides = array<i32>} : memref<128xf32, #tpu.memory_space<vmem>>, vector<16xf32>,
      %get3A_75 = arith.constant 0 : i32
      %get3A_76 = tpu.memref_slice %arg7[%add3A_63, %get3A_75] : memref<128x128xf32, #tpu.memory_space<vmem>> -> memref<1x128xf32, #tpu.memory_space<vmem>>
      %get3A_77 = tpu.memref_squeeze %get3A_76 : memref<1x128xf32, #tpu.memory_space<vmem>> -> memref<128xf32, #tpu.memory_space<vmem>>
      %get3A_78 = arith.constant 0 : index
      %get3A_79 = tpu.vector_load %get3A_77[%get3A_78] {strides = array<i32>} : memref<128xf32, #tpu.memory_space<vmem>>, vector<16xf32>,
      %get3A_80 = vector.shape_cast %get3A_79 : vector<16xf32> to vector<16xf32>
      %swap3A_81 = arith.constant 0 : i32
      %swap3A_82 = tpu.memref_slice %arg9[%scan3A_56, %swap3A_81] : memref<64x128xf32, #tpu.memory_space<vmem>> -> memref<1x128xf32, #tpu.memory_space<vmem>>
      %swap3A_83 = tpu.memref_squeeze %swap3A_82 : memref<1x128xf32, #tpu.memory_space<vmem>> -> memref<128xf32, #tpu.memory_space<vmem>>
      %swap3A_84 = arith.constant 64 : index
      %swap3A_85 = tpu.vector_load %swap3A_83[%swap3A_84] {strides = array<i32>} : memref<128xf32, #tpu.memory_space<vmem>>, vector<16xf32>,
      %swap3A_86 = vector.shape_cast %swap3A_85 : vector<16xf32> to vector<16xf32>
      %swap3A_87 = vector.shape_cast %get3A_80 : vector<16xf32> to vector<16xf32>
      tpu.vector_store %swap3A_83[%swap3A_84], %swap3A_87 {strides = array<i32>} : memref<128xf32, #tpu.memory_space<vmem>>, vector<16xf32>,
      %get3A_88 = arith.constant 0 : i32
      %get3A_89 = tpu.memref_slice %arg7[%mul3A_59, %get3A_88] : memref<128x128xf32, #tpu.memory_space<vmem>> -> memref<1x128xf32, #tpu.memory_space<vmem>>
      %get3A_90 = tpu.memref_squeeze %get3A_89 : memref<1x128xf32, #tpu.memory_space<vmem>> -> memref<128xf32, #tpu.memory_space<vmem>>
      %get3A_91 = arith.constant 16 : index
      %get3A_92 = tpu.vector_load %get3A_90[%get3A_91] {strides = array<i32>} : memref<128xf32, #tpu.memory_space<vmem>>, vector<16xf32>,
      %get3A_93 = vector.shape_cast %get3A_92 : vector<16xf32> to vector<16xf32>
      %swap3A_94 = arith.constant 0 : i32
      %swap3A_95 = tpu.memref_slice %arg9[%scan3A_56, %swap3A_94] : memref<64x128xf32, #tpu.memory_space<vmem>> -> memref<1x128xf32, #tpu.memory_space<vmem>>
      %swap3A_96 = tpu.memref_squeeze %swap3A_95 : memref<1x128xf32, #tpu.memory_space<vmem>> -> memref<128xf32, #tpu.memory_space<vmem>>
      %swap3A_97 = arith.constant 16 : index
      %swap3A_98 = tpu.vector_load %swap3A_96[%swap3A_97] {strides = array<i32>} : memref<128xf32, #tpu.memory_space<vmem>>, vector<16xf32>,
      %swap3A_99 = vector.shape_cast %swap3A_98 : vector<16xf32> to vector<16xf32>
      %swap3A_100 = vector.shape_cast %get3A_93 : vector<16xf32> to vector<16xf32>
      tpu.vector_store %swap3A_96[%swap3A_97], %swap3A_100 {strides = array<i32>} : memref<128xf32, #tpu.memory_space<vmem>>, vector<16xf32>,
      %get3A_101 = arith.constant 0 : i32
      %get3A_102 = tpu.memref_slice %arg7[%add3A_63, %get3A_101] : memref<128x128xf32, #tpu.memory_space<vmem>> -> memref<1x128xf32, #tpu.memory_space<vmem>>
      %get3A_103 = tpu.memref_squeeze %get3A_102 : memref<1x128xf32, #tpu.memory_space<vmem>> -> memref<128xf32, #tpu.memory_space<vmem>>
      %get3A_104 = arith.constant 16 : index
      %get3A_105 = tpu.vector_load %get3A_103[%get3A_104] {strides = array<i32>} : memref<128xf32, #tpu.memory_space<vmem>>, vector<16xf32>,
      %get3A_106 = vector.shape_cast %get3A_105 : vector<16xf32> to vector<16xf32>
      %swap3A_107 = arith.constant 0 : i32
      %swap3A_108 = tpu.memref_slice %arg9[%scan3A_56, %swap3A_107] : memref<64x128xf32, #tpu.memory_space<vmem>> -> memref<1x128xf32, #tpu.memory_space<vmem>>
      %swap3A_109 = tpu.memref_squeeze %swap3A_108 : memref<1x128xf32, #tpu.memory_space<vmem>> -> memref<128xf32, #tpu.memory_space<vmem>>
      %swap3A_110 = arith.constant 80 : index
      %swap3A_111 = tpu.vector_load %swap3A_109[%swap3A_110] {strides = array<i32>} : memref<128xf32, #tpu.memory_space<vmem>>, vector<16xf32>,
      %swap3A_112 = vector.shape_cast %swap3A_111 : vector<16xf32> to vector<16xf32>
      %swap3A_113 = vector.shape_cast %get3A_106 : vector<16xf32> to vector<16xf32>
      tpu.vector_store %swap3A_109[%swap3A_110], %swap3A_113 {strides = array<i32>} : memref<128xf32, #tpu.memory_space<vmem>>, vector<16xf32>,
      %scan3A_114 = arith.constant 0 : i32
      scf.yield %scan3A_114 : i32
    }
    %scan3A_41 = arith.constant 64 : i32
    %add3A_42 = arith.constant 64 : i32
    %add3A_43 = arith.addi %mul3A_4, %add3A_42 : i32
    %dma_start3A_44 = arith.constant 0 : i32
    %dma_start3A_45 = tpu.memref_slice %arg4[%add3A_43, %dma_start3A_44] : memref<4096x128xf32, #tpu.memory_space<hbm>> -> memref<64x128xf32, #tpu.memory_space<hbm>>
    %dma_start3A_46 = arith.constant 0 : i32
    %dma_start3A_47 = tpu.memref_slice %arg4[%add3A_43, %dma_start3A_46] : memref<4096x128xf32, #tpu.memory_space<hbm>> -> memref<64x128xf32, #tpu.memory_space<hbm>>
    tpu.enqueue_dma source(%arg9 : memref<64x128xf32, #tpu.memory_space<vmem>>) target(%dma_start3A_47 : memref<64x128xf32, #tpu.memory_space<hbm>>) target_semaphore(%arg11 : memref<!tpu.dma_semaphore, #tpu.memory_space<semaphore_mem>>)
    %dma_wait3A_48 = arith.constant 0 : i32
    %dma_wait3A_49 = tpu.memref_slice %arg4[%add3A_25, %dma_wait3A_48] : memref<4096x128xf32, #tpu.memory_space<hbm>> -> memref<64x128xf32, #tpu.memory_space<hbm>>
    %dma_wait3A_50 = arith.constant 0 : i32
    %dma_wait3A_51 = tpu.memref_slice %arg4[%add3A_25, %dma_wait3A_50] : memref<4096x128xf32, #tpu.memory_space<hbm>> -> memref<64x128xf32, #tpu.memory_space<hbm>>
    tpu.wait_dma2 semaphore(%arg11 : memref<!tpu.dma_semaphore, #tpu.memory_space<semaphore_mem>>) src(%arg8 : memref<64x128xf32, #tpu.memory_space<vmem>>) dst(%dma_wait3A_51 : memref<64x128xf32, #tpu.memory_space<hbm>>)
    %dma_wait3A_52 = arith.constant 0 : i32
    %dma_wait3A_53 = tpu.memref_slice %arg4[%add3A_43, %dma_wait3A_52] : memref<4096x128xf32, #tpu.memory_space<hbm>> -> memref<64x128xf32, #tpu.memory_space<hbm>>
    %dma_wait3A_54 = arith.constant 0 : i32
    %dma_wait3A_55 = tpu.memref_slice %arg4[%add3A_43, %dma_wait3A_54] : memref<4096x128xf32, #tpu.memory_space<hbm>> -> memref<64x128xf32, #tpu.memory_space<hbm>>
    tpu.wait_dma2 semaphore(%arg11 : memref<!tpu.dma_semaphore, #tpu.memory_space<semaphore_mem>>) src(%arg9 : memref<64x128xf32, #tpu.memory_space<vmem>>) dst(%dma_wait3A_55 : memref<64x128xf32, #tpu.memory_space<hbm>>)
    return
  }
}

module attributes {stable_mosaic.version = 14 : i64} {
  func.func @_mlp_body(%arg0: i32, %arg1: memref<2048x128xf32, #tpu.memory_space<vmem>>, %arg2: memref<2048x128xbf16, #tpu.memory_space<vmem>>, %arg3: memref<16x16xf32, #tpu.memory_space<vmem>>, %arg4: memref<16x8xf32, #tpu.memory_space<vmem>>, %arg5: memref<56x512xf32, #tpu.memory_space<vmem>>, %arg6: memref<512xf32, #tpu.memory_space<vmem>>, %arg7: memref<512x128xf32, #tpu.memory_space<vmem>>, %arg8: memref<128xf32, #tpu.memory_space<vmem>>, %arg9: memref<128x64xf32, #tpu.memory_space<vmem>>, %arg10: memref<64xf32, #tpu.memory_space<vmem>>, %arg11: memref<4096x64xf32, #tpu.memory_space<vmem>>) attributes {dimension_semantics = [#tpu.dimension_semantics<arbitrary>], iteration_bounds = array<i64: 2>, scalar_prefetch = 0 : i64, scratch_operands = 0 : i64, tpu.core_type = #tpu.core_type<tc>, window_params = [{transform_indices = @transform_0, window_bounds = array<i64: 2048, 128>}, {transform_indices = @transform_1, window_bounds = array<i64: 2048, 128>}, {pipeline_mode = #tpu.pipeline_mode<synchronous>, transform_indices = @transform_2, window_bounds = array<i64: 16, 16>}, {pipeline_mode = #tpu.pipeline_mode<synchronous>, transform_indices = @transform_3, window_bounds = array<i64: 16, 8>}, {pipeline_mode = #tpu.pipeline_mode<synchronous>, transform_indices = @transform_4, window_bounds = array<i64: 56, 512>}, {pipeline_mode = #tpu.pipeline_mode<synchronous>, transform_indices = @transform_5, window_bounds = array<i64: 512>}, {pipeline_mode = #tpu.pipeline_mode<synchronous>, transform_indices = @transform_6, window_bounds = array<i64: 512, 128>}, {pipeline_mode = #tpu.pipeline_mode<synchronous>, transform_indices = @transform_7, window_bounds = array<i64: 128>}, {pipeline_mode = #tpu.pipeline_mode<synchronous>, transform_indices = @transform_8, window_bounds = array<i64: 128, 64>}, {pipeline_mode = #tpu.pipeline_mode<synchronous>, transform_indices = @transform_9, window_bounds = array<i64: 64>}, {transform_indices = @transform_10, window_bounds = array<i64: 4096, 64>}]} {
    %get3A = arith.constant 0 : index
    %get3A_0 = arith.constant 0 : index
    %get3A_1 = vector.load %arg1[%get3A, %get3A_0] : memref<2048x128xf32, #tpu.memory_space<vmem>>, vector<2048x128xf32>
    %slice3A = vector.extract_strided_slice %get3A_1 {offsets = [0, 0], sizes = [2048, 64], strides = [1, 1]} : vector<2048x128xf32> to vector<2048x64xf32>
    %slice3A_2 = vector.extract_strided_slice %get3A_1 {offsets = [0, 64], sizes = [2048, 64], strides = [1, 1]} : vector<2048x128xf32> to vector<2048x64xf32>
    %concatenate3A = tpu.concatenate %slice3A, %slice3A_2 in 0 : vector<2048x64xf32>, vector<2048x64xf32> -> vector<4096x64xf32>
    %slice3A_3 = vector.extract_strided_slice %concatenate3A {offsets = [0, 0], sizes = [4096, 32], strides = [1, 1]} : vector<4096x64xf32> to vector<4096x32xf32>
    %convert_element_type3A = arith.truncf %slice3A_3 : vector<4096x32xf32> to vector<4096x32xbf16>
    %get3A_4 = arith.constant 0 : index
    %get3A_5 = arith.constant 0 : index
    %get3A_6 = vector.load %arg5[%get3A_4, %get3A_5] : memref<56x512xf32, #tpu.memory_space<vmem>>, vector<56x512xf32>
    %convert_element_type3A_7 = arith.truncf %get3A_6 : vector<56x512xf32> to vector<56x512xbf16>
    %get3A_8 = arith.constant 0 : index
    %get3A_9 = arith.constant 0 : index
    %get3A_10 = vector.load %arg3[%get3A_8, %get3A_9] : memref<16x16xf32, #tpu.memory_space<vmem>>, vector<16x16xf32>
    %convert_element_type3A_11 = arith.truncf %get3A_10 : vector<16x16xf32> to vector<16x16xbf16>
    %get3A_12 = arith.constant 0 : index
    %get3A_13 = arith.constant 0 : index
    %get3A_14 = vector.load %arg4[%get3A_12, %get3A_13] : memref<16x8xf32, #tpu.memory_space<vmem>>, vector<16x8xf32>
    %convert_element_type3A_15 = arith.truncf %get3A_14 : vector<16x8xf32> to vector<16x8xbf16>
    %slice3A_16 = vector.extract_strided_slice %convert_element_type3A_7 {offsets = [32, 0], sizes = [16, 512], strides = [1, 1]} : vector<56x512xbf16> to vector<16x512xbf16>
    %dot_general3A = arith.constant dense<0.000000e+00> : vector<16x512xf32>
    %dot_general3A_17 = tpu.matmul %convert_element_type3A_11, %slice3A_16, %dot_general3A {dimension_numbers = #tpu.dot_dimension_numbers<[1], [0], [0], [1], [0, 0, 1, 1], [], []>, transpose_lhs_hint = false} : vector<16x16xbf16>, vector<16x512xbf16>, vector<16x512xf32> -> vector<16x512xf32>
    %slice3A_18 = vector.extract_strided_slice %convert_element_type3A_7 {offsets = [48, 0], sizes = [8, 512], strides = [1, 1]} : vector<56x512xbf16> to vector<8x512xbf16>
    %dot_general3A_19 = arith.constant dense<0.000000e+00> : vector<16x512xf32>
    %dot_general3A_20 = tpu.matmul %convert_element_type3A_15, %slice3A_18, %dot_general3A_19 {dimension_numbers = #tpu.dot_dimension_numbers<[1], [0], [0], [1], [0, 0, 1, 1], [], []>, transpose_lhs_hint = false} : vector<16x8xbf16>, vector<8x512xbf16>, vector<16x512xf32> -> vector<16x512xf32>
    %get3A_21 = arith.constant 0 : index
    %get3A_22 = arith.constant 0 : index
    %get3A_23 = vector.load %arg2[%get3A_21, %get3A_22] : memref<2048x128xbf16, #tpu.memory_space<vmem>>, vector<2048x128xbf16>
    %slice3A_24 = vector.extract_strided_slice %get3A_23 {offsets = [0, 0], sizes = [2048, 64], strides = [1, 1]} : vector<2048x128xbf16> to vector<2048x64xbf16>
    %slice3A_25 = vector.extract_strided_slice %get3A_23 {offsets = [0, 64], sizes = [2048, 64], strides = [1, 1]} : vector<2048x128xbf16> to vector<2048x64xbf16>
    %concatenate3A_26 = tpu.concatenate %slice3A_24, %slice3A_25 in 0 : vector<2048x64xbf16>, vector<2048x64xbf16> -> vector<4096x64xbf16>
    %slice3A_27 = vector.extract_strided_slice %concatenate3A_26 {offsets = [0, 0], sizes = [4096, 16], strides = [1, 1]} : vector<4096x64xbf16> to vector<4096x16xbf16>
    %slice3A_28 = vector.extract_strided_slice %concatenate3A_26 {offsets = [0, 16], sizes = [4096, 16], strides = [1, 1]} : vector<4096x64xbf16> to vector<4096x16xbf16>
    %slice3A_29 = vector.extract_strided_slice %convert_element_type3A_7 {offsets = [0, 0], sizes = [32, 512], strides = [1, 1]} : vector<56x512xbf16> to vector<32x512xbf16>
    %dot_general3A_30 = arith.constant dense<0.000000e+00> : vector<4096x512xf32>
    %dot_general3A_31 = tpu.matmul %convert_element_type3A, %slice3A_29, %dot_general3A_30 {dimension_numbers = #tpu.dot_dimension_numbers<[1], [0], [0], [1], [0, 0, 1, 1], [], []>, transpose_lhs_hint = false} : vector<4096x32xbf16>, vector<32x512xbf16>, vector<4096x512xf32> -> vector<4096x512xf32>
    %convert_element_type3A_32 = arith.truncf %dot_general3A_17 : vector<16x512xf32> to vector<16x512xbf16>
    %dot_general3A_33 = arith.constant dense<0.000000e+00> : vector<4096x512xf32>
    %dot_general3A_34 = tpu.matmul %slice3A_27, %convert_element_type3A_32, %dot_general3A_33 {dimension_numbers = #tpu.dot_dimension_numbers<[1], [0], [0], [1], [0, 0, 1, 1], [], []>, transpose_lhs_hint = false} : vector<4096x16xbf16>, vector<16x512xbf16>, vector<4096x512xf32> -> vector<4096x512xf32>
    %add3A = arith.addf %dot_general3A_31, %dot_general3A_34 : vector<4096x512xf32>
    %convert_element_type3A_35 = arith.truncf %dot_general3A_20 : vector<16x512xf32> to vector<16x512xbf16>
    %dot_general3A_36 = arith.constant dense<0.000000e+00> : vector<4096x512xf32>
    %dot_general3A_37 = tpu.matmul %slice3A_28, %convert_element_type3A_35, %dot_general3A_36 {dimension_numbers = #tpu.dot_dimension_numbers<[1], [0], [0], [1], [0, 0, 1, 1], [], []>, transpose_lhs_hint = false} : vector<4096x16xbf16>, vector<16x512xbf16>, vector<4096x512xf32> -> vector<4096x512xf32>
    %add3A_38 = arith.addf %add3A, %dot_general3A_37 : vector<4096x512xf32>
    %get3A_39 = arith.constant 0 : index
    %get3A_40 = vector.load %arg6[%get3A_39] : memref<512xf32, #tpu.memory_space<vmem>>, vector<512xf32>
    %broadcast_in_dim3A = vector.shape_cast %get3A_40 : vector<512xf32> to vector<1x512xf32>
    %add3A_41 = vector.broadcast %broadcast_in_dim3A : vector<1x512xf32> to vector<4096x512xf32>
    %add3A_42 = arith.addf %add3A_38, %add3A_41 : vector<4096x512xf32>
    %max3A = arith.constant 0.000000e+00 : f32
    %max3A_43 = vector.broadcast %max3A : f32 to vector<4096x512xf32>
    %max3A_44 = arith.maximumf %add3A_42, %max3A_43 : vector<4096x512xf32>
    %convert_element_type3A_45 = arith.truncf %max3A_44 : vector<4096x512xf32> to vector<4096x512xbf16>
    %get3A_46 = arith.constant 0 : index
    %get3A_47 = arith.constant 0 : index
    %get3A_48 = vector.load %arg7[%get3A_46, %get3A_47] : memref<512x128xf32, #tpu.memory_space<vmem>>, vector<512x128xf32>
    %convert_element_type3A_49 = arith.truncf %get3A_48 : vector<512x128xf32> to vector<512x128xbf16>
    %get3A_50 = arith.constant 0 : index
    %get3A_51 = arith.constant 0 : index
    %get3A_52 = vector.load %arg9[%get3A_50, %get3A_51] : memref<128x64xf32, #tpu.memory_space<vmem>>, vector<128x64xf32>
    %convert_element_type3A_53 = arith.truncf %get3A_52 : vector<128x64xf32> to vector<128x64xbf16>
    %dot_general3A_54 = arith.constant dense<0.000000e+00> : vector<4096x128xf32>
    %dot_general3A_55 = tpu.matmul %convert_element_type3A_45, %convert_element_type3A_49, %dot_general3A_54 {dimension_numbers = #tpu.dot_dimension_numbers<[1], [0], [0], [1], [0, 0, 1, 1], [], []>, transpose_lhs_hint = false} : vector<4096x512xbf16>, vector<512x128xbf16>, vector<4096x128xf32> -> vector<4096x128xf32>
    %get3A_56 = arith.constant 0 : index
    %get3A_57 = vector.load %arg8[%get3A_56] : memref<128xf32, #tpu.memory_space<vmem>>, vector<128xf32>
    %broadcast_in_dim3A_58 = vector.shape_cast %get3A_57 : vector<128xf32> to vector<1x128xf32>
    %add3A_59 = vector.broadcast %broadcast_in_dim3A_58 : vector<1x128xf32> to vector<4096x128xf32>
    %add3A_60 = arith.addf %dot_general3A_55, %add3A_59 : vector<4096x128xf32>
    %max3A_61 = arith.constant 0.000000e+00 : f32
    %max3A_62 = vector.broadcast %max3A_61 : f32 to vector<4096x128xf32>
    %max3A_63 = arith.maximumf %add3A_60, %max3A_62 : vector<4096x128xf32>
    %convert_element_type3A_64 = arith.truncf %max3A_63 : vector<4096x128xf32> to vector<4096x128xbf16>
    %dot_general3A_65 = arith.constant dense<0.000000e+00> : vector<4096x64xf32>
    %dot_general3A_66 = tpu.matmul %convert_element_type3A_64, %convert_element_type3A_53, %dot_general3A_65 {dimension_numbers = #tpu.dot_dimension_numbers<[1], [0], [0], [1], [0, 0, 1, 1], [], []>, transpose_lhs_hint = false} : vector<4096x128xbf16>, vector<128x64xbf16>, vector<4096x64xf32> -> vector<4096x64xf32>
    %get3A_67 = arith.constant 0 : index
    %get3A_68 = vector.load %arg10[%get3A_67] : memref<64xf32, #tpu.memory_space<vmem>>, vector<64xf32>
    %broadcast_in_dim3A_69 = vector.shape_cast %get3A_68 : vector<64xf32> to vector<1x64xf32>
    %add3A_70 = vector.broadcast %broadcast_in_dim3A_69 : vector<1x64xf32> to vector<4096x64xf32>
    %add3A_71 = arith.addf %dot_general3A_66, %add3A_70 : vector<4096x64xf32>
    %slice3A_72 = vector.extract_strided_slice %add3A_71 {offsets = [0, 0], sizes = [2048, 64], strides = [1, 1]} : vector<4096x64xf32> to vector<2048x64xf32>
    %slice3A_73 = vector.extract_strided_slice %add3A_71 {offsets = [2048, 0], sizes = [2048, 64], strides = [1, 1]} : vector<4096x64xf32> to vector<2048x64xf32>
    %stack3A = vector.shape_cast %slice3A_72 : vector<2048x64xf32> to vector<2048x1x64xf32>
    %stack3A_74 = vector.shape_cast %slice3A_73 : vector<2048x64xf32> to vector<2048x1x64xf32>
    %stack3A_75 = tpu.concatenate %stack3A, %stack3A_74 in 1 : vector<2048x1x64xf32>, vector<2048x1x64xf32> -> vector<2048x2x64xf32>
    %reshape3A = vector.shape_cast %stack3A_75 : vector<2048x2x64xf32> to vector<4096x64xf32>
    %swap3A = arith.constant 0 : index
    %swap3A_76 = arith.constant 0 : index
    %swap3A_77 = vector.load %arg11[%swap3A, %swap3A_76] : memref<4096x64xf32, #tpu.memory_space<vmem>>, vector<4096x64xf32>
    tpu.vector_store %arg11[%swap3A, %swap3A_76], %reshape3A {strides = array<i32>} : memref<4096x64xf32, #tpu.memory_space<vmem>>, vector<4096x64xf32>,
    return
  }
  func.func @transform_0(%arg0: i32) -> (i32, i32) {
    %c0_i32 = arith.constant 0 : i32
    %c0_i32_0 = arith.constant 0 : i32
    return %arg0, %c0_i32 : i32, i32
  }
  func.func @transform_1(%arg0: i32) -> (i32, i32) {
    %c0_i32 = arith.constant 0 : i32
    %c0_i32_0 = arith.constant 0 : i32
    return %arg0, %c0_i32 : i32, i32
  }
  func.func @transform_2(%arg0: i32) -> (i32, i32) {
    %c0_i32 = arith.constant 0 : i32
    %c0_i32_0 = arith.constant 0 : i32
    %c0_i32_1 = arith.constant 0 : i32
    return %c0_i32, %c0_i32_0 : i32, i32
  }
  func.func @transform_3(%arg0: i32) -> (i32, i32) {
    %c0_i32 = arith.constant 0 : i32
    %c0_i32_0 = arith.constant 0 : i32
    %c0_i32_1 = arith.constant 0 : i32
    return %c0_i32, %c0_i32_0 : i32, i32
  }
  func.func @transform_4(%arg0: i32) -> (i32, i32) {
    %c0_i32 = arith.constant 0 : i32
    %c0_i32_0 = arith.constant 0 : i32
    %c0_i32_1 = arith.constant 0 : i32
    return %c0_i32, %c0_i32_0 : i32, i32
  }
  func.func @transform_5(%arg0: i32) -> i32 {
    %c0_i32 = arith.constant 0 : i32
    %c0_i32_0 = arith.constant 0 : i32
    return %c0_i32 : i32
  }
  func.func @transform_6(%arg0: i32) -> (i32, i32) {
    %c0_i32 = arith.constant 0 : i32
    %c0_i32_0 = arith.constant 0 : i32
    %c0_i32_1 = arith.constant 0 : i32
    return %c0_i32, %c0_i32_0 : i32, i32
  }
  func.func @transform_7(%arg0: i32) -> i32 {
    %c0_i32 = arith.constant 0 : i32
    %c0_i32_0 = arith.constant 0 : i32
    return %c0_i32 : i32
  }
  func.func @transform_8(%arg0: i32) -> (i32, i32) {
    %c0_i32 = arith.constant 0 : i32
    %c0_i32_0 = arith.constant 0 : i32
    %c0_i32_1 = arith.constant 0 : i32
    return %c0_i32, %c0_i32_0 : i32, i32
  }
  func.func @transform_9(%arg0: i32) -> i32 {
    %c0_i32 = arith.constant 0 : i32
    %c0_i32_0 = arith.constant 0 : i32
    return %c0_i32 : i32
  }
  func.func @transform_10(%arg0: i32) -> (i32, i32) {
    %c0_i32 = arith.constant 0 : i32
    %c0_i32_0 = arith.constant 0 : i32
    return %arg0, %c0_i32 : i32, i32
  }
}

</mosaic_0001>

<sc_bundles>
// kernel: kernel.6.cloned.1.call-start
scs
__scs_entry_jumppad:
0x0: {  	(pc) =	sbr.rel $0x88, $3  }
0x1: {  	(tag) =	ssettag $0x0;
	lr =	simm.s32 $0x1  }
0x2: {  	[smem:$0x3F95] =	sst lr;
	_ =	strace $0xD0000000  }
0x3: {  	_ = 	snop  }
0x4: {  	_ = 	snop  }
0x5: {  	_ = 	snop  }
0x6: {  	_ = 	snop  }
0x7: {  	_ = 	snop  }
__scs_overlays_trampoline_lowered:
0x8: {  	[smem:$0x3FA4] =	sst s0  }
0x9: {  	[smem:$0x3FA5] =	sst s1  }
0xa: {  	[smem:$0x3FA6] =	sst s2  }
0xb: {  	[smem:$0x3FA7] =	sst s3  }
0xc: {  	[smem:$0x3FA8] =	sst s4  }
0xd: {  	[smem:$0x3FA9] =	sst s5  }
0xe: {  	[smem:$0x3FAA] =	sst s6  }
0xf: {  	[smem:$0x3FAB] =	sst s7  }
0x10: {  	[smem:$0x3FAC] =	sst s8  }
0x11: {  	[smem:$0x3FAD] =	sst s9;
	s0 =	simm.s32 @!p0 $0x0  }
0x12: {  	s1 =	sld [smem:$0x3F93];
	s0 =	simm.s32 @p0 $0x1  }
0x13: {  	[smem:$0x3FAE] =	sst s0;
	s0 =	simm.s32 @!p1 $0x0  }
0x14: {  	s2 =	sld [smem:$0x3F92];
	s0 =	simm.s32 @p1 $0x1  }
0x15: {  	[smem:$0x3FAF] =	sst s0;
	s0 =	simm.s32 @!p2 $0x0  }
0x16: {  	s3 =	sld [smem:$0x3FDB];
	s0 =	simm.s32 @p2 $0x1  }
0x17: {  	s4 =	simm.s32 $0x1BF5;
	[smem:$0x3FB1] =	sst s0  }
0x18: {  	s0 =	sld [smem:$0x3F94];
	_ =	swait.ge [sflag:s4], $0x0  }
0x19: {  	s7 =	sld [smem:$0x3F95]  }
0x1a: {  	s8 =	sadd.s32 $0xFFFFE003, lr  }
0x1b: {  	s9 =	sadd.s32 $0xFFFFFEF7, lr;
	s5 =	simm.s32 $0xFFFFFFFF;
	p2 =	slt.u32 s8, $0xFFFFF086  }
0x1c: {  	p1 =	slt.u32 s9, $0xF7A;
	s5 =	simm.s32 @!p2 $0x0  }
0x1d: {  	s5 =	simm.s32 @p1 $0x1;
	p0 =	seq.s32 s7, s2  }
0x1e: {  	s7 =	smul.u32 @!p0 $0xF7A, s2;
	p2 =	seq.s32 @!p0 s5, $0x0  }
0x1f: {  	s9 =	smul.u32 $0xF7A, s1;
	s8 =	simm.s32 @!p0 $0x1BF5;
	p2 =	por !p2, p0  }
0x20: {  	[sflag:s8] =	ssyncset.s32 @!p0 $0xFFFFF086;
	s6 =	sadd.s32 @!p0 s3, s7;
	s7 =	simm.s32 @!p0 $0x108  }
0x21: {  	s3 =	sadd.s32 s3, s9;
	s6 =	sadd.s32 @!p0 $0x88, s6;
	s7 =	simm.s32 @p2 $0x1082  }
0x22: {  	[simem:s7], [sflag:s8] =	dma.local @!p0 [hbm:s6], $0xF7A  }
0x23: {  	s9 =	sor.u32 $0xD0000000, s2;
	s6 =	simm.s32 $0x108;
	_ =	swait.ge @!p0 [sflag:s8], $0x0  }
0x24: {  	s3 =	sadd.s32 $0x88, s3;
	s6 =	simm.s32 @!p1 $0x1082;
	[sflag:s4] =	ssyncset.s32 $0xFFFFF086  }
0x25: {  	[simem:s6], [sflag:s4] =	dma.local [hbm:s3], $0xF7A  }
0x26: {  	[smem:$0x3F95] =	sst s1;
	(tag) =	ssettag s2;
	_ =	strace s9  }
0x27: {  	s1 =	sld [smem:$0x3FA5]  }
0x28: {  	s2 =	sld [smem:$0x3FA6]  }
0x29: {  	s4 =	sld [smem:$0x3FA8]  }
0x2a: {  	p0 =	seq.s32 s5, $0x0;
	s5 =	sld [smem:$0x3FA9]  }
0x2b: {  	s6 =	sld [smem:$0x3FAA]  }
0x2c: {  	s7 =	sld [smem:$0x3FAB]  }
0x2d: {  	s3 =	simm.s32 $0x108;
	s8 =	sld [smem:$0x3FAC]  }
0x2e: {  	s3 =	simm.s32 @!p0 $0x1082;
	s9 =	sld [smem:$0x3FAD]  }
0x2f: {  	lr =	sadd.s32 s0, s3;
	s0 =	sld [smem:$0x3FA4]  }
0x30: {  	s3 =	sld [smem:$0x3FA7]  }
0x31: {  	[smem:$0x3FB0] =	sst s10  }
0x32: {  	s10 =	sld [smem:$0x3FAE];
	_ =	sdelay $0x3  }
0x33: {  	p0 =	seq.s32 s10, $0x1;
	s10 =	sld [smem:$0x3FB0];
	_ =	sdelay $0x3  }
0x34: {  	[smem:$0x3FB0] =	sst s10  }
0x35: {  	s10 =	sld [smem:$0x3FAF];
	_ =	sdelay $0x3  }
0x36: {  	p1 =	seq.s32 s10, $0x1;
	s10 =	sld [smem:$0x3FB0];
	_ =	sdelay $0x3  }
0x37: {  	[smem:$0x3FB0] =	sst s10  }
0x38: {  	s10 =	sld [smem:$0x3FB1]  }
0x39: {  	_ = 	snop;
	(pc) =	sbr.ind lr, $3  }
0x3a: {  	_ = 	snop  }
0x3b: {  	_ = 	snop  }
0x3c: {  	p2 =	seq.s32 s10, $0x1;
	s10 =	sld [smem:$0x3FB0]  }
0x3d: {  	_ =	shalt  }
0x3e: {  	_ =	shalt  }
0x3f: {  	_ =	shalt  }
0x40: {  	_ =	shalt  }
0x41: {  	_ =	shalt  }
0x42: {  	_ =	shalt  }
0x43: {  	_ =	shalt  }
0x44: {  	_ =	shalt  }
0x45: {  	_ =	shalt  }
0x46: {  	_ =	shalt  }
0x47: {  	_ =	shalt  }
0x48: {  	_ =	shalt  }
0x49: {  	_ =	shalt  }
0x4a: {  	_ =	shalt  }
0x4b: {  	_ =	shalt  }
0x4c: {  	_ =	shalt  }
0x4d: {  	_ =	shalt  }
0x4e: {  	_ =	shalt  }
0x4f: {  	_ =	shalt  }
0x50: {  	_ =	shalt  }
0x51: {  	_ =	shalt  }
0x52: {  	_ =	shalt  }
0x53: {  	_ =	shalt  }
0x54: {  	_ =	shalt  }
0x55: {  	_ =	shalt  }
0x56: {  	_ =	shalt  }
0x57: {  	_ =	shalt  }
0x58: {  	_ =	shalt  }
0x59: {  	_ =	shalt  }
0x5a: {  	_ =	shalt  }
0x5b: {  	_ =	shalt  }
0x5c: {  	_ =	shalt  }
0x5d: {  	_ =	shalt  }
0x5e: {  	_ =	shalt  }
0x5f: {  	_ =	shalt  }
0x60: {  	_ =	shalt  }
0x61: {  	_ =	shalt  }
0x62: {  	_ =	shalt  }
0x63: {  	_ =	shalt  }
0x64: {  	_ =	shalt  }
0x65: {  	_ =	shalt  }
0x66: {  	_ =	shalt  }
0x67: {  	_ =	shalt  }
0x68: {  	_ =	shalt  }
0x69: {  	_ =	shalt  }
0x6a: {  	_ =	shalt  }
0x6b: {  	_ =	shalt  }
0x6c: {  	_ =	shalt  }
0x6d: {  	_ =	shalt  }
0x6e: {  	_ =	shalt  }
0x6f: {  	_ =	shalt  }
0x70: {  	_ =	shalt  }
0x71: {  	_ =	shalt  }
0x72: {  	_ =	shalt  }
0x73: {  	_ =	shalt  }
0x74: {  	_ =	shalt  }
0x75: {  	_ =	shalt  }
0x76: {  	_ =	shalt  }
0x77: {  	_ =	shalt  }
0x78: {  	_ =	shalt  }
0x79: {  	_ =	shalt  }
0x7a: {  	_ =	shalt  }
0x7b: {  	_ =	shalt  }
0x7c: {  	_ =	shalt  }
0x7d: {  	_ =	shalt  }
0x7e: {  	_ =	shalt  }
0x7f: {  	_ =	shalt  }
0x80: {  	_ =	shalt  }
0x81: {  	_ =	shalt  }
0x82: {  	_ =	shalt  }
0x83: {  	_ =	shalt  }
0x84: {  	_ =	shalt  }
0x85: {  	_ =	shalt  }
0x86: {  	_ =	shalt  }
0x87: {  	_ =	shalt  }
.Lfunc_end0:
.L_simem_size_0:
called_computation_lowered:
.L_overlay_start_0:
0x88: {  	s2 =	sld [smem:$0x3FD9]  }
0x89: {  	s3 =	sld [smem:$0x3FFE];
	_ =	sdelay $0x1  }
0x8a: {  	s1 =	srdreg.scid  }
0x8b: {  	s0 =	sand.u32 $0x1, s1  }
0x8c: {  	s16 =	sshll.u32 s0, $0xA;
	s2 =	sadd.s32 s3, s2  }
0x8d: {  	s2 =	sadd.s32 s2, s16  }
0x8e: {  	[smem:$0x3FBC] =	sst s2  }
0x8f: {  	_ = 	snop  }
0x90: {  	(tm) =	ssettm $0x1  }
0x91: {  	s17 =	sld [smem:$0x3FFB];
	_ =	sdelay $0x3  }
0x92: {  	_ =	strace s17  }
0x93: {  	s2 =	sld [smem:$0x3FFC];
	_ =	sdelay $0x3  }
0x94: {  	_ =	strace s2  }
0x95: {  	s2 =	sld [smem:$0x3FFD];
	_ =	sdelay $0x3  }
0x96: {  	_ =	strace s2  }
0x97: {  	_ =	strace $0x8FFFFFFF  }
0x98: {  	s18 =	sld [smem:$0x3FDB];
	_ =	sdelay $0x1  }
0x99: {  	s19 =	simm.s32 $_scs_section_size  }
0x9a: {  	s4 =	simm.s32 $_size__tile_overlayer_lowered;
	s5 =	simm.s32 $_tile_overlayer_lowered  }
0x9b: {  	s22 =	simm.s32 $0x1BFF;
	s21 =	sshll.u32 s5, $0x1;
	s2 =	sadd.s32 s19, s18  }
0x9c: {  	s6 =	simm.s32 $0x0;
	s20 =	sshll.u32 s4, $0x1;
	s4 =	sadd.s32 s21, s2  }
0x9d: {  	[timem:s6], [sflag:s22] =	dma.local [hbm:s4], s20  }
0x9e: {  	_ =	swait.ge [sflag:s22], s20  }
0x9f: {  	s3 =	ssub.s32 $0x0, s20;
	[sflag:s22] =	ssyncset.done $0x0  }
0xa0: {  	[sflag:s22] =	ssyncadd.s32 s3;
	_ =	sdelay $0x1  }
0xa1: {  	s23 =	simm.s32 $0x1B8B  }
0xa2: {  	_ =	swait.ge [sflag:s23], $0x1  }
0xa3: {  	[sflag:s23] =	ssyncset.done $0x0  }
0xa4: {  	s25 =	simm.s32 $0x1B8E;
	s24 =	sld [smem:$0x3FFE];
	[sflag:s23] =	ssyncadd.s32 $0xFFFFFFFF  }
0xa5: {  	s26 =	simm.s32 $execute0_lowered;
	[smem:$0x3FD2] =	sst s25  }
0xa6: {  	s4 =	sshll.u32 s26, $0x1;
	_ =	strace $0x80000046;
	[dreg:$0x1] =	wrdreg $0xFFFFFFFF  }
0xa7: {  	s28 =	simm.s32 $_size_execute0_lowered;
	s2 =	sadd.s32 s2, s4;
	[dreg:$0x0] =	wrdreg $0x0  }
0xa8: {  	s4 =	sshll.u32 s28, $0x1;
	[dreg:$0x2] =	wrdreg s2  }
0xa9: {  	[dreg:$0x3] =	wrdreg s4  }
0xaa: {  	[dreg:$0x4] =	wrdreg $0xC0  }
0xab: {  	_ =	task [dreg:s6], $0x5FFFF  }
0xac: {  	[dreg:$0x1] =	wrdreg $0xFFFFFFFF  }
0xad: {  	[dreg:$0x0] =	wrdreg $0x60  }
0xae: {  	[dreg:$0x2] =	wrdreg s24  }
0xaf: {  	[dreg:$0x3] =	wrdreg $0x9  }
0xb0: {  	_ =	task.clear_ibuf [dreg:s6], $0x4FFFF;
	_ =	strace $0x90000046  }
0xb1: {  	s29 =	simm.s32 $0x9;
	_ =	strace $0x80000048  }
0xb2: {  	_ =	swait.ge [sflag:s29], $0x1  }
0xb3: {  	[sflag:s29] =	ssyncadd.s32 $0xFFFFFFFF  }
0xb4: {  	_ =	strace $0x90000048  }
0xb5: {  	_ =	sfence  }
0xb6: {  	s30 =	sld [smem:$0x0];
	_ =	sdelay $0x2  }
0xb7: {  	s31 =	sshll.u32 s1, $0xD;
	s1 =	sshrl.u32 s1, $0x2  }
0xb8: {  	s3 =	sand.u32 $0x4000, s31;
	s1 =	sadd.s32 s1, s30  }
0xb9: {  	s0 =	sor.u32 s3, s0;
	s1 =	sshll.u32 s1, $0x11  }
0xba: {  	s0 =	sor.u32 s1, s0  }
0xbb: {  	s0 =	sadd.s32 $0x8F2B, s0  }
0xbc: {  	[sflag:s0] =	ssyncadd.remote.s32 $0x1  }
0xbd: {  	_ =	sfence.sel $0xFFFF  }
0xbe: {  	[dreg:$0x0] =	wrdreg $0xFFFFFFFF;
	(pc) =	sbr.abs _section_cstart, $3  }
0xbf: {  	[dreg:$0x1] =	wrdreg $0xFFFFFFFF  }
0xc0: {  	_ =	task.clear_ibuf [dreg:s6], $0x2FFFF;
	_ =	strace $0x9FFFFFFF  }
0xc1: {  	(tm) =	ssettm $0x7FFFFFFF  }
tec
execute0_lowered:
.L_overlay_start_1:
0x0: {  	(tag) =	ssettag $0x1  }
0x1: {  	s1 =	srdreg.scid  }
0x2: {  	s0 =	stileid.u32;
	s4 =	rddreg [dreg:$0x0];
	s2 =	simm.s32 $0x0  }
0x3: {  	s10 =	simm.s32 $0x100;
	s11 =	simm.s32 $0x4100;
	s12 =	simm.s32 $0x1  }
0x4: {  	s13 =	simm.s32 $0x8100;
	s14 =	simm.s32 $0xA100;
	s15 =	simm.s32 $0x2  }
0x5: {  	s3 =	sand.u32 $0x1, s1;
	s5 =	sshll.u32 s0, $0x1;
	s1 =	rddreg [dreg:$0x1]  }
0x6: {  	s16 =	simm.s32 $0x0;
	[smem:$0x7FF] =	sst s2;
	s5 =	sor.u32 s3, s5  }
0x7: {  	_ =	strace $0x80000047;
	s7 =	ssub.s32 $0x2, s3;
	s3 =	sadd.s32 $0x2E00, s4  }
0x8: {  	s6 =	sshll.u32 s5, $0x5;
	s5 =	sshll.u32 s5, $0xB;
	s8 =	sshrl.u32 s7, $0x1  }
0x9: {  	s6 =	sadd.s32 s6, s4;
	s9 =	sadd.s32 s5, s4;
	s7 =	ssub.s32 s7, s8  }
0xa: {  	s8 =	simm.s32 $0x3;
	s4 =	sadd.s32 $0x2600, s6;
	s5 =	sadd.s32 $0x2A000, s9  }
0xb: {  	s6 =	sadd.s32 $0x2A400, s9;
	s7 =	smax.u32 s7, $0x1;
	s9 =	simm.s32 $0x80  }
.LBB2_1:
0xc: {  	[tilespmem:s2], [sflag:$0x3] =	stream.linear.gather [hbm4b:s4+s2], $0x100, $0x38;
	[tilespmem:$0xC100] =	vst v63  }
0xd: {  	_ =	swait.ge [sflag:s8], $0x100  }
0xe: {  	[sflag:s8] =	ssyncset.done $0x0  }
0xf: {  	[sflag:s8] =	ssyncadd.s32 $0xFFFFFF00  }
0x10: {  	[tilespmem:s10], [sflag:$0x1] =	stream.indirect.gather [hbm4b:s3+s9], $0x80, s2, s9, $0xb8;
	[tilespmem:$0xC100] =	vst v63  }
0x11: {  	_ = 	snop  }
0x12: {  	[tilespmem:s11], [sflag:$0x1] =	stream.indirect.gather [hbm4b:s3+s9], $0x80, s9, s9, $0xb8;
	[tilespmem:$0xC100] =	vst v63  }
0x13: {  	_ =	swait.ge [sflag:s12], $0x4000  }
0x14: {  	[sflag:s12] =	ssyncset.done $0x0  }
0x15: {  	s17 =	simm.s32 $0x180;
	[sflag:s12] =	ssyncadd.s32 $0xFFFFC000  }
0x16: {  	s18 =	simm.s32 $0x200;
	s19 =	simm.s32 $0x0;
	v0 =	vld [tilespmem:s17+$0xFFFFFF80]  }
.LBB2_2:
0x17: {  	p0 =	sne.s32 s18, $0x7E00;
	_ =	sdelay $0x2  }
0x18: {  	s20 =	sshra.s32 s19, $0x2;
	s19 =	smov.u32 s18  }
0x19: {  	[tilespmem:s20+$0x8100] =	vst v0  }
0x1a: {  	v0 =	vld [tilespmem:s17+$0x0];
	_ =	sdelay $0x4  }
0x1b: {  	[tilespmem:s20+$0x8140] =	vst v0  }
0x1c: {  	v0 =	vld [tilespmem:s17+$0xFFFFFF90];
	_ =	sdelay $0x4  }
0x1d: {  	[tilespmem:s20+$0x8110] =	vst v0  }
0x1e: {  	v0 =	vld [tilespmem:s17+$0x10];
	_ =	sdelay $0x1  }
.Ltmp0:
0x1f: {  	(pc) =	sbr.rel @p0 .LBB2_2-.Ltmp0, $3  }
0x20: {  	_ =	sdelay $0x1  }
0x21: {  	s17 =	sadd.s32 $0x100, s17;
	[tilespmem:s20+$0x8150] =	vst v0  }
0x22: {  	s18 =	sadd.s32 $0x200, s18;
	v0 =	vld [tilespmem:s17+$0xFFFFFF80]  }
0x23: {  	_ =	sdelay $0x2  }
0x24: {  	s18 =	sshra.s32 s19, $0x2  }
0x25: {  	[tilespmem:s18+$0x8100] =	vst v0  }
0x26: {  	v0 =	vld [tilespmem:s17+$0x0];
	_ =	sdelay $0x4  }
0x27: {  	[tilespmem:s18+$0x8140] =	vst v0  }
0x28: {  	v0 =	vld [tilespmem:s17+$0xFFFFFF90];
	_ =	sdelay $0x4  }
0x29: {  	[tilespmem:s18+$0x8110] =	vst v0  }
0x2a: {  	v0 =	vld [tilespmem:s17+$0x10];
	_ =	sdelay $0x4  }
0x2b: {  	[tilespmem:s18+$0x8150] =	vst v0;
	s18 =	simm.s32 $0x0  }
0x2c: {  	[hbm4b:s5+s18] =	stream.linear.scatter [tilespmem:s13], [sflag:$0x2], $0x2000, $0x38;
	[tilespmem:$0xC100] =	vst v63  }
0x2d: {  	_ =	swait.ge [sflag:s12], $0x4000  }
0x2e: {  	[sflag:s12] =	ssyncset.done $0x0  }
0x2f: {  	s17 =	simm.s32 $0x4180;
	[sflag:s12] =	ssyncadd.s32 $0xFFFFC000  }
0x30: {  	s19 =	simm.s32 $0x200;
	v0 =	vld [tilespmem:s17+$0xFFFFFF80]  }
.LBB2_4:
0x31: {  	p0 =	sne.s32 s19, $0x7E00;
	_ =	sdelay $0x2  }
0x32: {  	s20 =	sshra.s32 s18, $0x2;
	s18 =	smov.u32 s19  }
0x33: {  	[tilespmem:s20+$0xA100] =	vst v0  }
0x34: {  	v0 =	vld [tilespmem:s17+$0x0];
	_ =	sdelay $0x4  }
0x35: {  	[tilespmem:s20+$0xA140] =	vst v0  }
0x36: {  	v0 =	vld [tilespmem:s17+$0xFFFFFF90];
	_ =	sdelay $0x4  }
0x37: {  	[tilespmem:s20+$0xA110] =	vst v0  }
0x38: {  	v0 =	vld [tilespmem:s17+$0x10];
	_ =	sdelay $0x1  }
.Ltmp1:
0x39: {  	(pc) =	sbr.rel @p0 .LBB2_4-.Ltmp1, $3  }
0x3a: {  	_ =	sdelay $0x1  }
0x3b: {  	s17 =	sadd.s32 $0x100, s17;
	[tilespmem:s20+$0xA150] =	vst v0  }
0x3c: {  	s19 =	sadd.s32 $0x200, s19;
	v0 =	vld [tilespmem:s17+$0xFFFFFF80]  }
0x3d: {  	_ =	sdelay $0x2  }
0x3e: {  	s18 =	sshra.s32 s18, $0x2  }
0x3f: {  	[tilespmem:s18+$0xA100] =	vst v0  }
0x40: {  	v0 =	vld [tilespmem:s17+$0x0];
	_ =	sdelay $0x4  }
0x41: {  	[tilespmem:s18+$0xA140] =	vst v0  }
0x42: {  	v0 =	vld [tilespmem:s17+$0xFFFFFF90];
	_ =	sdelay $0x4  }
0x43: {  	[tilespmem:s18+$0xA110] =	vst v0  }
0x44: {  	v0 =	vld [tilespmem:s17+$0x10];
	_ =	sdelay $0x4  }
0x45: {  	s16 =	sadd.s32 $0x1, s16;
	[tilespmem:s18+$0xA150] =	vst v0  }
0x46: {  	[hbm4b:s6+s2] =	stream.linear.scatter [tilespmem:s14], [sflag:$0x2], $0x2000, $0x38;
	[tilespmem:$0xC100] =	vst v63  }
0x47: {  	p0 =	sne.s32 s16, s7;
	_ =	swait.ge [sflag:s15], $0x2000  }
.Ltmp2:
0x48: {  	[sflag:s15] =	ssyncset.done $0x0;
	(pc) =	sbr.rel @p0 .LBB2_1-.Ltmp2, $4  }
0x49: {  	[sflag:s15] =	ssyncadd.s32 $0xFFFFE000  }
0x4a: {  	_ =	swait.ge [sflag:s15], $0x2000  }
0x4b: {  	[sflag:s15] =	ssyncset.done $0x0  }
0x4c: {  	[sflag:s15] =	ssyncadd.s32 $0xFFFFE000  }
0x4d: {  	_ =	sfence.sel $0x180000  }
0x4e: {  	[bflag:$0x0] =	sbarrier.arrive $0xFFFF  }
0x4f: {  	p0 =	sne.s32 s0, $0x0;
	_ =	strace $0x90000047  }
0x50: {  	s0 =	sadd.s32 @!p0 $0x100000, s1;
	[bflag:$0x2] =	sbarrier.arrive $0xFFFF  }
0x51: {  	[sflag:s0] =	ssyncadd.tile.s32 @!p0 $0x1;
	_ =	shalt  }
.Lfunc_end2:
_tile_overlayer_lowered:
.L_overlay_start_2:
0x52: {  	(tag) =	ssettag $0x2  }
0x53: {  	s0 =	rddreg [dreg:$0x0];
	s2 =	stileid.u32  }
0x54: {  	s1 =	rddreg [dreg:$0x1];
	p0 =	sne.s32 s2, $0x0  }
0x55: {  	s3 =	rddreg [dreg:$0x2];
	[bflag:$0x3] =	sbarrier.arrive $0xFFFF;
	s2 =	simm.s32 @!p0 $0x1C03  }
0x56: {  	[timem:s3], [sflag:s2] =	dma.local @!p0 [hbm:s0], s1  }
0x57: {  	s0 =	simm.s32 @!p0 $0x3  }
0x58: {  	_ =	swait.ge @!p0 [sflag:s0], s1  }
0x59: {  	s1 =	ssub.s32 @!p0 $0x0, s1;
	[sflag:s0] =	ssyncset.done @!p0 $0x0  }
0x5a: {  	[sflag:s0] =	ssyncadd.s32 @!p0 s1  }
0x5b: {  	[bflag:$0x3] =	sbarrier.arrive $0xFFFF  }
0x5c: {  	_ =	shalt  }

// kernel: kernel.9.cloned.1.call-start
scs
__scs_entry_jumppad:
0x0: {  	(pc) =	sbr.rel $0x88, $3  }
0x1: {  	(tag) =	ssettag $0x0;
	lr =	simm.s32 $0x1  }
0x2: {  	[smem:$0x3F95] =	sst lr;
	_ =	strace $0xD0000000  }
0x3: {  	_ = 	snop  }
0x4: {  	_ = 	snop  }
0x5: {  	_ = 	snop  }
0x6: {  	_ = 	snop  }
0x7: {  	_ = 	snop  }
__scs_overlays_trampoline_lowered:
0x8: {  	[smem:$0x3FA4] =	sst s0  }
0x9: {  	[smem:$0x3FA5] =	sst s1  }
0xa: {  	[smem:$0x3FA6] =	sst s2  }
0xb: {  	[smem:$0x3FA7] =	sst s3  }
0xc: {  	[smem:$0x3FA8] =	sst s4  }
0xd: {  	[smem:$0x3FA9] =	sst s5  }
0xe: {  	[smem:$0x3FAA] =	sst s6  }
0xf: {  	[smem:$0x3FAB] =	sst s7  }
0x10: {  	[smem:$0x3FAC] =	sst s8  }
0x11: {  	[smem:$0x3FAD] =	sst s9;
	s0 =	simm.s32 @!p0 $0x0  }
0x12: {  	s1 =	sld [smem:$0x3F93];
	s0 =	simm.s32 @p0 $0x1  }
0x13: {  	[smem:$0x3FAE] =	sst s0;
	s0 =	simm.s32 @!p1 $0x0  }
0x14: {  	s2 =	sld [smem:$0x3F92];
	s0 =	simm.s32 @p1 $0x1  }
0x15: {  	[smem:$0x3FAF] =	sst s0;
	s0 =	simm.s32 @!p2 $0x0  }
0x16: {  	s3 =	sld [smem:$0x3FDB];
	s0 =	simm.s32 @p2 $0x1  }
0x17: {  	s4 =	simm.s32 $0x1BF5;
	[smem:$0x3FB1] =	sst s0  }
0x18: {  	s0 =	sld [smem:$0x3F94];
	_ =	swait.ge [sflag:s4], $0x0  }
0x19: {  	s7 =	sld [smem:$0x3F95]  }
0x1a: {  	s8 =	sadd.s32 $0xFFFFE003, lr  }
0x1b: {  	s9 =	sadd.s32 $0xFFFFFEF7, lr;
	s5 =	simm.s32 $0xFFFFFFFF;
	p2 =	slt.u32 s8, $0xFFFFF086  }
0x1c: {  	p1 =	slt.u32 s9, $0xF7A;
	s5 =	simm.s32 @!p2 $0x0  }
0x1d: {  	s5 =	simm.s32 @p1 $0x1;
	p0 =	seq.s32 s7, s2  }
0x1e: {  	s7 =	smul.u32 @!p0 $0xF7A, s2;
	p2 =	seq.s32 @!p0 s5, $0x0  }
0x1f: {  	s9 =	smul.u32 $0xF7A, s1;
	s8 =	simm.s32 @!p0 $0x1BF5;
	p2 =	por !p2, p0  }
0x20: {  	[sflag:s8] =	ssyncset.s32 @!p0 $0xFFFFF086;
	s6 =	sadd.s32 @!p0 s3, s7;
	s7 =	simm.s32 @!p0 $0x108  }
0x21: {  	s3 =	sadd.s32 s3, s9;
	s6 =	sadd.s32 @!p0 $0x88, s6;
	s7 =	simm.s32 @p2 $0x1082  }
0x22: {  	[simem:s7], [sflag:s8] =	dma.local @!p0 [hbm:s6], $0xF7A  }
0x23: {  	s9 =	sor.u32 $0xD0000000, s2;
	s6 =	simm.s32 $0x108;
	_ =	swait.ge @!p0 [sflag:s8], $0x0  }
0x24: {  	s3 =	sadd.s32 $0x88, s3;
	s6 =	simm.s32 @!p1 $0x1082;
	[sflag:s4] =	ssyncset.s32 $0xFFFFF086  }
0x25: {  	[simem:s6], [sflag:s4] =	dma.local [hbm:s3], $0xF7A  }
0x26: {  	[smem:$0x3F95] =	sst s1;
	(tag) =	ssettag s2;
	_ =	strace s9  }
0x27: {  	s1 =	sld [smem:$0x3FA5]  }
0x28: {  	s2 =	sld [smem:$0x3FA6]  }
0x29: {  	s4 =	sld [smem:$0x3FA8]  }
0x2a: {  	p0 =	seq.s32 s5, $0x0;
	s5 =	sld [smem:$0x3FA9]  }
0x2b: {  	s6 =	sld [smem:$0x3FAA]  }
0x2c: {  	s7 =	sld [smem:$0x3FAB]  }
0x2d: {  	s3 =	simm.s32 $0x108;
	s8 =	sld [smem:$0x3FAC]  }
0x2e: {  	s3 =	simm.s32 @!p0 $0x1082;
	s9 =	sld [smem:$0x3FAD]  }
0x2f: {  	lr =	sadd.s32 s0, s3;
	s0 =	sld [smem:$0x3FA4]  }
0x30: {  	s3 =	sld [smem:$0x3FA7]  }
0x31: {  	[smem:$0x3FB0] =	sst s10  }
0x32: {  	s10 =	sld [smem:$0x3FAE];
	_ =	sdelay $0x3  }
0x33: {  	p0 =	seq.s32 s10, $0x1;
	s10 =	sld [smem:$0x3FB0];
	_ =	sdelay $0x3  }
0x34: {  	[smem:$0x3FB0] =	sst s10  }
0x35: {  	s10 =	sld [smem:$0x3FAF];
	_ =	sdelay $0x3  }
0x36: {  	p1 =	seq.s32 s10, $0x1;
	s10 =	sld [smem:$0x3FB0];
	_ =	sdelay $0x3  }
0x37: {  	[smem:$0x3FB0] =	sst s10  }
0x38: {  	s10 =	sld [smem:$0x3FB1]  }
0x39: {  	_ = 	snop;
	(pc) =	sbr.ind lr, $3  }
0x3a: {  	_ = 	snop  }
0x3b: {  	_ = 	snop  }
0x3c: {  	p2 =	seq.s32 s10, $0x1;
	s10 =	sld [smem:$0x3FB0]  }
0x3d: {  	_ =	shalt  }
0x3e: {  	_ =	shalt  }
0x3f: {  	_ =	shalt  }
0x40: {  	_ =	shalt  }
0x41: {  	_ =	shalt  }
0x42: {  	_ =	shalt  }
0x43: {  	_ =	shalt  }
0x44: {  	_ =	shalt  }
0x45: {  	_ =	shalt  }
0x46: {  	_ =	shalt  }
0x47: {  	_ =	shalt  }
0x48: {  	_ =	shalt  }
0x49: {  	_ =	shalt  }
0x4a: {  	_ =	shalt  }
0x4b: {  	_ =	shalt  }
0x4c: {  	_ =	shalt  }
0x4d: {  	_ =	shalt  }
0x4e: {  	_ =	shalt  }
0x4f: {  	_ =	shalt  }
0x50: {  	_ =	shalt  }
0x51: {  	_ =	shalt  }
0x52: {  	_ =	shalt  }
0x53: {  	_ =	shalt  }
0x54: {  	_ =	shalt  }
0x55: {  	_ =	shalt  }
0x56: {  	_ =	shalt  }
0x57: {  	_ =	shalt  }
0x58: {  	_ =	shalt  }
0x59: {  	_ =	shalt  }
0x5a: {  	_ =	shalt  }
0x5b: {  	_ =	shalt  }
0x5c: {  	_ =	shalt  }
0x5d: {  	_ =	shalt  }
0x5e: {  	_ =	shalt  }
0x5f: {  	_ =	shalt  }
0x60: {  	_ =	shalt  }
0x61: {  	_ =	shalt  }
0x62: {  	_ =	shalt  }
0x63: {  	_ =	shalt  }
0x64: {  	_ =	shalt  }
0x65: {  	_ =	shalt  }
0x66: {  	_ =	shalt  }
0x67: {  	_ =	shalt  }
0x68: {  	_ =	shalt  }
0x69: {  	_ =	shalt  }
0x6a: {  	_ =	shalt  }
0x6b: {  	_ =	shalt  }
0x6c: {  	_ =	shalt  }
0x6d: {  	_ =	shalt  }
0x6e: {  	_ =	shalt  }
0x6f: {  	_ =	shalt  }
0x70: {  	_ =	shalt  }
0x71: {  	_ =	shalt  }
0x72: {  	_ =	shalt  }
0x73: {  	_ =	shalt  }
0x74: {  	_ =	shalt  }
0x75: {  	_ =	shalt  }
0x76: {  	_ =	shalt  }
0x77: {  	_ =	shalt  }
0x78: {  	_ =	shalt  }
0x79: {  	_ =	shalt  }
0x7a: {  	_ =	shalt  }
0x7b: {  	_ =	shalt  }
0x7c: {  	_ =	shalt  }
0x7d: {  	_ =	shalt  }
0x7e: {  	_ =	shalt  }
0x7f: {  	_ =	shalt  }
0x80: {  	_ =	shalt  }
0x81: {  	_ =	shalt  }
0x82: {  	_ =	shalt  }
0x83: {  	_ =	shalt  }
0x84: {  	_ =	shalt  }
0x85: {  	_ =	shalt  }
0x86: {  	_ =	shalt  }
0x87: {  	_ =	shalt  }
.Lfunc_end0:
.L_simem_size_0:
called_computation.1_lowered:
.L_overlay_start_0:
0x88: {  	s2 =	sld [smem:$0x3FD9]  }
0x89: {  	s3 =	sld [smem:$0x3FFE];
	_ =	sdelay $0x1  }
0x8a: {  	s1 =	srdreg.scid  }
0x8b: {  	s0 =	sand.u32 $0x1, s1  }
0x8c: {  	s17 =	sshll.u32 s0, $0xA;
	s2 =	sadd.s32 s3, s2  }
0x8d: {  	s2 =	sadd.s32 s2, s17  }
0x8e: {  	[smem:$0x3FBC] =	sst s2  }
0x8f: {  	_ = 	snop  }
0x90: {  	s18 =	sld [smem:$0x3FD0];
	(tm) =	ssettm $0x1  }
0x91: {  	s19 =	sld [smem:$0x3FFB];
	_ =	sdelay $0x3  }
0x92: {  	_ =	strace s19  }
0x93: {  	s2 =	sld [smem:$0x3FFC];
	_ =	sdelay $0x3  }
0x94: {  	_ =	strace s2  }
0x95: {  	s2 =	sld [smem:$0x3FFD];
	_ =	sdelay $0x3  }
0x96: {  	_ =	strace s2  }
0x97: {  	_ =	strace $0x8FFFFFFF  }
0x98: {  	s20 =	sld [smem:$0x3FDB];
	_ =	sdelay $0x1  }
0x99: {  	s4 =	simm.s32 $_scs_section_size  }
0x9a: {  	s5 =	simm.s32 $_size__tile_overlayer_lowered;
	s6 =	simm.s32 $_tile_overlayer_lowered  }
0x9b: {  	s7 =	simm.s32 $0x1BFF;
	s21 =	sshll.u32 s6, $0x1;
	s4 =	sadd.s32 s4, s20  }
0x9c: {  	s22 =	simm.s32 $0x0;
	s5 =	sshll.u32 s5, $0x1;
	s6 =	sadd.s32 s21, s4  }
0x9d: {  	[timem:s22], [sflag:s7] =	dma.local [hbm:s6], s5  }
0x9e: {  	_ =	swait.ge [sflag:s7], s5  }
0x9f: {  	s5 =	ssub.s32 $0x0, s5;
	[sflag:s7] =	ssyncset.done $0x0  }
0xa0: {  	[sflag:s7] =	ssyncadd.s32 s5;
	_ =	sdelay $0x1  }
0xa1: {  	s23 =	simm.s32 $0x1B8B  }
0xa2: {  	_ =	swait.ge [sflag:s23], $0x1  }
0xa3: {  	[sflag:s23] =	ssyncset.done $0x0  }
0xa4: {  	[sflag:s23] =	ssyncadd.s32 $0xFFFFFFFF  }
0xa5: {  	s5 =	sld [smem:$0x0]  }
0xa6: {  	s6 =	sand.u32 $0xFFFFFFFE, s1  }
0xa7: {  	p0 =	sne.s32 s1, s6  }
0xa8: {  	s6 =	sshll.u32 @p0 s6, $0xE  }
0xa9: {  	s6 =	sadd.s32 @p0 $0x11B8D, s6;
	s7 =	sshll.u32 @p0 s5, $0x11  }
0xaa: {  	s6 =	sor.u32 @p0 s7, s6  }
0xab: {  	[sflag:s6] =	ssyncadd.remote.s32 @p0 $0x1;
	_ =	sdelay $0x1  }
0xac: {  	s6 =	simm.s32 @p0 $0x1B8D  }
0xad: {  	_ =	swait.eq @p0 [sflag:s6], $0x1  }
0xae: {  	[sflag:s6] =	ssyncadd.s32 @p0 $0xFFFFFFFF  }
0xaf: {  	s7 =	sshll.u32 @!p0 s1, $0xE  }
0xb0: {  	s7 =	sor.u32 @!p0 $0x4000, s7;
	s6 =	simm.s32 @!p0 $0x1B8D  }
0xb1: {  	s5 =	sshll.u32 @!p0 s5, $0x11;
	s7 =	sadd.s32 @!p0 $0x11B8D, s7;
	_ =	swait.eq @!p0 [sflag:s6], $0x1  }
0xb2: {  	s5 =	sor.u32 @!p0 s5, s7;
	[sflag:s6] =	ssyncadd.s32 @!p0 $0xFFFFFFFF  }
0xb3: {  	s25 =	simm.s32 $0x1B8E;
	s24 =	sld [smem:$0x3FFE];
	[sflag:s5] =	ssyncadd.remote.s32 @!p0 $0x1  }
0xb4: {  	s26 =	simm.s32 $execute0_lowered;
	[smem:$0x3FD2] =	sst s25  }
0xb5: {  	s6 =	sshll.u32 s26, $0x1;
	_ =	strace $0x80000049;
	[dreg:$0x1] =	wrdreg $0xFFFFFFFF  }
0xb6: {  	s28 =	simm.s32 $_size_execute0_lowered;
	s4 =	sadd.s32 s4, s6;
	[dreg:$0x0] =	wrdreg $0x0  }
0xb7: {  	s6 =	sshll.u32 s28, $0x1;
	[dreg:$0x2] =	wrdreg s4  }
0xb8: {  	[dreg:$0x3] =	wrdreg s6  }
0xb9: {  	[dreg:$0x4] =	wrdreg $0xC0  }
0xba: {  	_ =	task [dreg:s22], $0x5FFFF  }
0xbb: {  	[dreg:$0x1] =	wrdreg $0xFFFFFFFF  }
0xbc: {  	[dreg:$0x0] =	wrdreg $0x60  }
0xbd: {  	[dreg:$0x2] =	wrdreg s24  }
0xbe: {  	[dreg:$0x3] =	wrdreg s18  }
0xbf: {  	[dreg:$0x4] =	wrdreg $0xA  }
0xc0: {  	_ =	task.clear_ibuf [dreg:s22], $0x5FFFF;
	_ =	strace $0x90000049  }
0xc1: {  	s29 =	simm.s32 $0xA;
	_ =	strace $0x8000004B  }
0xc2: {  	_ =	swait.ge [sflag:s29], $0x1  }
0xc3: {  	[sflag:s29] =	ssyncadd.s32 $0xFFFFFFFF  }
0xc4: {  	_ =	strace $0x9000004B  }
0xc5: {  	_ =	sfence  }
0xc6: {  	s30 =	sld [smem:$0x0];
	_ =	sdelay $0x2  }
0xc7: {  	s31 =	sshll.u32 s1, $0xD;
	s1 =	sshrl.u32 s1, $0x2  }
0xc8: {  	s4 =	sand.u32 $0x4000, s31;
	s1 =	sadd.s32 s1, s30  }
0xc9: {  	s0 =	sor.u32 s4, s0;
	s1 =	sshll.u32 s1, $0x11  }
0xca: {  	s0 =	sor.u32 s1, s0  }
0xcb: {  	s0 =	sadd.s32 $0x8F2B, s0  }
0xcc: {  	[sflag:s0] =	ssyncadd.remote.s32 $0x1  }
0xcd: {  	_ =	sfence.sel $0xFFFF  }
0xce: {  	[dreg:$0x0] =	wrdreg $0xFFFFFFFF;
	(pc) =	sbr.abs _section_cstart, $3  }
0xcf: {  	[dreg:$0x1] =	wrdreg $0xFFFFFFFF  }
0xd0: {  	_ =	task.clear_ibuf [dreg:s22], $0x2FFFF;
	_ =	strace $0x9FFFFFFF  }
0xd1: {  	(tm) =	ssettm $0x7FFFFFFF  }
tec
execute0_lowered:
.L_overlay_start_1:
0x0: {  	(tag) =	ssettag $0x1  }
0x1: {  	s3 =	rddreg [dreg:$0x0]  }
0x2: {  	s4 =	rddreg [dreg:$0x1]  }
0x3: {  	s0 =	rddreg [dreg:$0x2];
	s5 =	srdreg.scid  }
0x4: {  	s1 =	stileid.u32;
	s2 =	simm.s32 $0x0;
	s9 =	simm.s32 $0x80  }
0x5: {  	s10 =	simm.s32 $0x100;
	s11 =	simm.s32 $0x4100;
	s12 =	simm.s32 $0x1  }
0x6: {  	s13 =	simm.s32 $0x8100;
	s14 =	simm.s32 $0xA100;
	s15 =	simm.s32 $0x2  }
0x7: {  	s16 =	simm.s32 $0x0;
	s5 =	sand.u32 $0x1, s5;
	s6 =	sshll.u32 s1, $0x1  }
0x8: {  	[smem:$0x7FF] =	sst s2;
	s6 =	sor.u32 s5, s6;
	s5 =	ssub.s32 $0x2, s5  }
0x9: {  	_ =	strace $0x8000004A;
	s7 =	sshll.u32 s6, $0x5;
	s8 =	sshrl.u32 s5, $0x1  }
0xa: {  	s6 =	sshll.u32 s6, $0xB;
	s7 =	sadd.s32 s7, s3;
	s3 =	sadd.s32 $0x2E00, s3  }
0xb: {  	s8 =	ssub.s32 s5, s8;
	s4 =	sadd.s32 s4, s6;
	s5 =	sadd.s32 $0x2A00, s7  }
0xc: {  	s6 =	sadd.s32 $0x400, s4;
	s7 =	smax.u32 s8, $0x1;
	s8 =	simm.s32 $0x3  }
.LBB2_1:
0xd: {  	[tilespmem:s2], [sflag:$0x3] =	stream.linear.gather [hbm4b:s5+s2], $0x100, $0x38;
	[tilespmem:$0xC100] =	vst v63  }
0xe: {  	_ =	swait.ge [sflag:s8], $0x100  }
0xf: {  	[sflag:s8] =	ssyncset.done $0x0  }
0x10: {  	[sflag:s8] =	ssyncadd.s32 $0xFFFFFF00  }
0x11: {  	[tilespmem:s10], [sflag:$0x1] =	stream.indirect.gather [hbm4b:s3+s9], $0x80, s2, s9, $0xb8;
	[tilespmem:$0xC100] =	vst v63  }
0x12: {  	_ = 	snop  }
0x13: {  	[tilespmem:s11], [sflag:$0x1] =	stream.indirect.gather [hbm4b:s3+s9], $0x80, s9, s9, $0xb8;
	[tilespmem:$0xC100] =	vst v63  }
0x14: {  	_ =	swait.ge [sflag:s12], $0x4000  }
0x15: {  	[sflag:s12] =	ssyncset.done $0x0  }
0x16: {  	s17 =	simm.s32 $0x180;
	[sflag:s12] =	ssyncadd.s32 $0xFFFFC000  }
0x17: {  	s18 =	simm.s32 $0x200;
	s19 =	simm.s32 $0x0;
	v0 =	vld [tilespmem:s17+$0xFFFFFF80]  }
.LBB2_2:
0x18: {  	p0 =	sne.s32 s18, $0x7E00;
	_ =	sdelay $0x2  }
0x19: {  	s20 =	sshra.s32 s19, $0x2;
	s19 =	smov.u32 s18  }
0x1a: {  	[tilespmem:s20+$0x8100] =	vst v0  }
0x1b: {  	v0 =	vld [tilespmem:s17+$0x0];
	_ =	sdelay $0x4  }
0x1c: {  	[tilespmem:s20+$0x8140] =	vst v0  }
0x1d: {  	v0 =	vld [tilespmem:s17+$0xFFFFFF90];
	_ =	sdelay $0x4  }
0x1e: {  	[tilespmem:s20+$0x8110] =	vst v0  }
0x1f: {  	v0 =	vld [tilespmem:s17+$0x10];
	_ =	sdelay $0x1  }
.Ltmp0:
0x20: {  	(pc) =	sbr.rel @p0 .LBB2_2-.Ltmp0, $3  }
0x21: {  	_ =	sdelay $0x1  }
0x22: {  	s17 =	sadd.s32 $0x100, s17;
	[tilespmem:s20+$0x8150] =	vst v0  }
0x23: {  	s18 =	sadd.s32 $0x200, s18;
	v0 =	vld [tilespmem:s17+$0xFFFFFF80]  }
0x24: {  	_ =	sdelay $0x2  }
0x25: {  	s18 =	sshra.s32 s19, $0x2  }
0x26: {  	[tilespmem:s18+$0x8100] =	vst v0  }
0x27: {  	v0 =	vld [tilespmem:s17+$0x0];
	_ =	sdelay $0x4  }
0x28: {  	[tilespmem:s18+$0x8140] =	vst v0  }
0x29: {  	v0 =	vld [tilespmem:s17+$0xFFFFFF90];
	_ =	sdelay $0x4  }
0x2a: {  	[tilespmem:s18+$0x8110] =	vst v0  }
0x2b: {  	v0 =	vld [tilespmem:s17+$0x10];
	_ =	sdelay $0x4  }
0x2c: {  	[tilespmem:s18+$0x8150] =	vst v0;
	s18 =	simm.s32 $0x0  }
0x2d: {  	[hbm4b:s4+s18] =	stream.linear.scatter [tilespmem:s13], [sflag:$0x2], $0x2000, $0x38;
	[tilespmem:$0xC100] =	vst v63  }
0x2e: {  	_ =	swait.ge [sflag:s12], $0x4000  }
0x2f: {  	[sflag:s12] =	ssyncset.done $0x0  }
0x30: {  	s17 =	simm.s32 $0x4180;
	[sflag:s12] =	ssyncadd.s32 $0xFFFFC000  }
0x31: {  	s19 =	simm.s32 $0x200;
	v0 =	vld [tilespmem:s17+$0xFFFFFF80]  }
.LBB2_4:
0x32: {  	p0 =	sne.s32 s19, $0x7E00;
	_ =	sdelay $0x2  }
0x33: {  	s20 =	sshra.s32 s18, $0x2;
	s18 =	smov.u32 s19  }
0x34: {  	[tilespmem:s20+$0xA100] =	vst v0  }
0x35: {  	v0 =	vld [tilespmem:s17+$0x0];
	_ =	sdelay $0x4  }
0x36: {  	[tilespmem:s20+$0xA140] =	vst v0  }
0x37: {  	v0 =	vld [tilespmem:s17+$0xFFFFFF90];
	_ =	sdelay $0x4  }
0x38: {  	[tilespmem:s20+$0xA110] =	vst v0  }
0x39: {  	v0 =	vld [tilespmem:s17+$0x10];
	_ =	sdelay $0x1  }
.Ltmp1:
0x3a: {  	(pc) =	sbr.rel @p0 .LBB2_4-.Ltmp1, $3  }
0x3b: {  	_ =	sdelay $0x1  }
0x3c: {  	s17 =	sadd.s32 $0x100, s17;
	[tilespmem:s20+$0xA150] =	vst v0  }
0x3d: {  	s19 =	sadd.s32 $0x200, s19;
	v0 =	vld [tilespmem:s17+$0xFFFFFF80]  }
0x3e: {  	_ =	sdelay $0x2  }
0x3f: {  	s18 =	sshra.s32 s18, $0x2  }
0x40: {  	[tilespmem:s18+$0xA100] =	vst v0  }
0x41: {  	v0 =	vld [tilespmem:s17+$0x0];
	_ =	sdelay $0x4  }
0x42: {  	[tilespmem:s18+$0xA140] =	vst v0  }
0x43: {  	v0 =	vld [tilespmem:s17+$0xFFFFFF90];
	_ =	sdelay $0x4  }
0x44: {  	[tilespmem:s18+$0xA110] =	vst v0  }
0x45: {  	v0 =	vld [tilespmem:s17+$0x10];
	_ =	sdelay $0x4  }
0x46: {  	s16 =	sadd.s32 $0x1, s16;
	[tilespmem:s18+$0xA150] =	vst v0  }
0x47: {  	[hbm4b:s6+s2] =	stream.linear.scatter [tilespmem:s14], [sflag:$0x2], $0x2000, $0x38;
	[tilespmem:$0xC100] =	vst v63  }
0x48: {  	p0 =	sne.s32 s16, s7;
	_ =	swait.ge [sflag:s15], $0x2000  }
.Ltmp2:
0x49: {  	[sflag:s15] =	ssyncset.done $0x0;
	(pc) =	sbr.rel @p0 .LBB2_1-.Ltmp2, $4  }
0x4a: {  	[sflag:s15] =	ssyncadd.s32 $0xFFFFE000  }
0x4b: {  	_ =	swait.ge [sflag:s15], $0x2000  }
0x4c: {  	[sflag:s15] =	ssyncset.done $0x0  }
0x4d: {  	[sflag:s15] =	ssyncadd.s32 $0xFFFFE000  }
0x4e: {  	_ =	sfence.sel $0x180000  }
0x4f: {  	[bflag:$0x0] =	sbarrier.arrive $0xFFFF  }
0x50: {  	p0 =	sne.s32 s1, $0x0;
	_ =	strace $0x9000004A  }
0x51: {  	s0 =	sadd.s32 @!p0 $0x100000, s0;
	[bflag:$0x2] =	sbarrier.arrive $0xFFFF  }
0x52: {  	[sflag:s0] =	ssyncadd.tile.s32 @!p0 $0x1;
	_ =	shalt  }
.Lfunc_end2:
_tile_overlayer_lowered:
.L_overlay_start_2:
0x53: {  	(tag) =	ssettag $0x2  }
0x54: {  	s0 =	rddreg [dreg:$0x0];
	s2 =	stileid.u32  }
0x55: {  	s1 =	rddreg [dreg:$0x1];
	p0 =	sne.s32 s2, $0x0  }
0x56: {  	s3 =	rddreg [dreg:$0x2];
	[bflag:$0x3] =	sbarrier.arrive $0xFFFF;
	s2 =	simm.s32 @!p0 $0x1C03  }
0x57: {  	[timem:s3], [sflag:s2] =	dma.local @!p0 [hbm:s0], s1  }
0x58: {  	s0 =	simm.s32 @!p0 $0x3  }
0x59: {  	_ =	swait.ge @!p0 [sflag:s0], s1  }
0x5a: {  	s1 =	ssub.s32 @!p0 $0x0, s1;
	[sflag:s0] =	ssyncset.done @!p0 $0x0  }
0x5b: {  	[sflag:s0] =	ssyncadd.s32 @!p0 s1  }
0x5c: {  	[bflag:$0x3] =	sbarrier.arrive $0xFFFF  }
0x5d: {  	_ =	shalt  }

</sc_bundles>
